<compile_context>
chip_gen: v7x
topology: tpu7x:2x2x1
jax: 0.10.2.dev20260603
libtpu: 0.0.44.dev20260713+nightly
codegen_flags: <defaults>
</compile_context>

<pallas_src>
import functools

import jax
import jax.numpy as jnp
from jax import lax
from jax.experimental import pallas as pl
from jax.experimental.pallas import tpu as pltpu
from jax.experimental.pallas import tpu_sc as plsc

N = 10000
E = 320000
D = 128
HEADS = 8
HID = 16
NCLS = 16

NW = 32
EPW = E // NW
B = 80
NB = EPW // B
G = 5
NPAD = 10240
STRIPE = NPAD // 16


def _make_edge_pass(Dh, heads):
    nd = Dh // 16
    mesh = plsc.VectorSubcoreMesh(core_axis_name="c", subcore_axis_name="s")

    @functools.partial(
        pl.kernel,
        out_type=jax.ShapeDtypeStruct((2, NPAD, Dh), jnp.float32),
        mesh=mesh,
        scratch_types=[
            pltpu.VMEM((G, B), jnp.int32),
            pltpu.VMEM((G, B), jnp.int32),
            pltpu.VMEM((B, Dh), jnp.float32),
            pltpu.VMEM((B, 16), jnp.float32),
            pltpu.VMEM((B, Dh), jnp.float32),
            pltpu.VMEM_SHARED((NPAD, Dh), jnp.float32),
            pltpu.SemaphoreType.DMA,
            pltpu.SemaphoreType.DMA,
        ],
        compiler_params=pltpu.CompilerParams(use_tc_tiling_on_sc=False),
    )
    def edge_pass(hs_hbm, ad_hbm, src_hbm, dst_hbm, out_hbm,
                  sidx, didx, hsbuf, adbuf, msg, acc, sem1, sem2):
        cid = lax.axis_index("c")
        sid = lax.axis_index("s")
        wid = cid * 16 + sid

        def zrow(r, carry):
            for d_ in range(nd):
                msg[r, pl.ds(d_ * 16, 16)] = jnp.zeros((16,), jnp.float32)
            return carry
        lax.fori_loop(0, B, zrow, 0)

        def zcp(j, carry):
            pltpu.sync_copy(msg, acc.at[pl.ds(sid * STRIPE + j * B, B)])
            return carry
        lax.fori_loop(0, STRIPE // B, zcp, 0)
        plsc.subcore_barrier()

        def group(g, carry):
            cps = pltpu.async_copy(src_hbm.at[wid, pl.ds(g * G, G)], sidx, sem1)
            cpd = pltpu.async_copy(dst_hbm.at[wid, pl.ds(g * G, G)], didx, sem2)
            cps.wait()
            cpd.wait()

            def block(j, c1):
                cp1 = pltpu.async_copy(hs_hbm.at[sidx.at[j]], hsbuf, sem1)
                cp2 = pltpu.async_copy(ad_hbm.at[didx.at[j]], adbuf, sem2)
                cp1.wait()
                cp2.wait()

                def edge(e, c2):
                    ad = adbuf[e]
                    asv = hsbuf[e, pl.ds(Dh - 16, 16)]
                    ev = asv + ad
                    ev = jnp.where(ev >= 0.0, ev, 0.2 * ev)
                    ex = jnp.exp(ev)
                    for hd in range(heads):
                        exb = jnp.broadcast_to(ex[hd], (16,))
                        msg[e, pl.ds(hd * 16, 16)] = hsbuf[e, pl.ds(hd * 16, 16)] * exb
                    msg[e, pl.ds(Dh - 16, 16)] = ex
                    return c2
                lax.fori_loop(0, B, edge, 0)

                pltpu.sync_copy(msg, acc.at[didx.at[j]], add=True)
                return c1
            lax.fori_loop(0, G, block, 0)
            return carry
        lax.fori_loop(0, NB // G, group, 0)

        plsc.subcore_barrier()

        def wb(j, carry):
            r0 = sid * STRIPE + j * B
            pltpu.sync_copy(acc.at[pl.ds(r0, B)], msg)
            pltpu.sync_copy(msg, out_hbm.at[cid, pl.ds(r0, B)])
            return carry
        lax.fori_loop(0, STRIPE // B, wb, 0)

    return edge_pass


_edge_pass_1 = _make_edge_pass(144, HEADS)
_edge_pass_2 = _make_edge_pass(32, 1)


def _tc1(x, Wh, Wd):
    R = 1000

    def body(x_ref, wh_ref, wd_ref, o1_ref, o2_ref):
        xb = x_ref[...]
        o1_ref[...] = jnp.dot(xb, wh_ref[...], preferred_element_type=jnp.float32)
        o2_ref[...] = jnp.dot(xb, wd_ref[...], preferred_element_type=jnp.float32)

    return pl.pallas_call(
        body,
        grid=(N // R,),
        in_specs=[
            pl.BlockSpec((R, D), lambda i: (i, 0)),
            pl.BlockSpec((D, 144), lambda i: (0, 0)),
            pl.BlockSpec((D, 16), lambda i: (0, 0)),
        ],
        out_specs=[
            pl.BlockSpec((R, 144), lambda i: (i, 0)),
            pl.BlockSpec((R, 16), lambda i: (i, 0)),
        ],
        out_shape=[
            jax.ShapeDtypeStruct((N, 144), jnp.float32),
            jax.ShapeDtypeStruct((N, 16), jnp.float32),
        ],
    )(x, Wh, Wd)


def _tc2(p, b1r, Wh, Wd):
    R = 1000

    def body(p_ref, b_ref, wh_ref, wd_ref, o1_ref, o2_ref):
        acc = p_ref[0] + p_ref[1]
        num = acc[:, :128]
        den = acc[:, 128:136]
        col = lax.broadcasted_iota(jnp.int32, (8, 128), 1) // 16
        row = lax.broadcasted_iota(jnp.int32, (8, 128), 0)
        expand = (col == row).astype(jnp.float32)
        dexp = jnp.dot(den, expand, preferred_element_type=jnp.float32)
        x1 = num / (dexp + 1e-16) + b_ref[...]
        x1 = jnp.where(x1 > 0.0, x1, jnp.exp(x1) - 1.0)
        o1_ref[...] = jnp.dot(x1, wh_ref[...], preferred_element_type=jnp.float32)
        o2_ref[...] = jnp.dot(x1, wd_ref[...], preferred_element_type=jnp.float32)

    return pl.pallas_call(
        body,
        grid=(N // R,),
        in_specs=[
            pl.BlockSpec((2, R, 144), lambda i: (0, i, 0)),
            pl.BlockSpec((1, D), lambda i: (0, 0)),
            pl.BlockSpec((D, 32), lambda i: (0, 0)),
            pl.BlockSpec((D, 16), lambda i: (0, 0)),
        ],
        out_specs=[
            pl.BlockSpec((R, 32), lambda i: (i, 0)),
            pl.BlockSpec((R, 16), lambda i: (i, 0)),
        ],
        out_shape=[
            jax.ShapeDtypeStruct((N, 32), jnp.float32),
            jax.ShapeDtypeStruct((N, 16), jnp.float32),
        ],
    )(p, b1r, Wh, Wd)


def _tc3(p, b2r):
    R = 1000

    def body(p_ref, b_ref, o_ref):
        acc = p_ref[0] + p_ref[1]
        num = acc[:, :16]
        den = acc[:, 16:17]
        logits = num / (den + 1e-16) + b_ref[...]
        m = jnp.max(logits, axis=1, keepdims=True)
        s = logits - m
        lse = jnp.log(jnp.sum(jnp.exp(s), axis=1, keepdims=True))
        o_ref[...] = s - lse

    return pl.pallas_call(
        body,
        grid=(N // R,),
        in_specs=[
            pl.BlockSpec((2, R, 32), lambda i: (0, i, 0)),
            pl.BlockSpec((1, NCLS), lambda i: (0, 0)),
        ],
        out_specs=pl.BlockSpec((R, NCLS), lambda i: (i, 0)),
        out_shape=jax.ShapeDtypeStruct((N, NCLS), jnp.float32),
    )(p, b2r)


def kernel(x, edge_index, W1, att_src1, att_dst1, b1, W2, att_src2, att_dst2, b2):
    ei = edge_index.astype(jnp.int32)
    src3 = ei[0].reshape(NW, NB, B)
    dst3 = ei[1].reshape(NW, NB, B)

    W1r = W1.reshape(D, HEADS, HID)
    a_s = jnp.einsum("fhk,hk->fh", W1r, att_src1)
    a_d = jnp.einsum("fhk,hk->fh", W1r, att_dst1)
    z8 = jnp.zeros((D, 8), jnp.float32)
    W1hs = jnp.concatenate([W1, a_s, z8], axis=1)
    W1ad = jnp.concatenate([a_d, z8], axis=1)

    ws2 = W2 @ att_src2[0]
    wd2 = W2 @ att_dst2[0]
    z15 = jnp.zeros((D, 15), jnp.float32)
    W2hs = jnp.concatenate([W2, ws2[:, None], z15], axis=1)
    W2ad = jnp.concatenate([wd2[:, None], z15], axis=1)

    hs1, ad1 = _tc1(x, W1hs, W1ad)
    p1 = _edge_pass_1(hs1, ad1, src3, dst3)
    hs2, ad2 = _tc2(p1, b1.reshape(1, D), W2hs, W2ad)
    p2 = _edge_pass_2(hs2, ad2, src3, dst3)
    return _tc3(p2, b2.reshape(1, NCLS))

# --- scband reference (transcript-rebuilt; emitter-appended) ---
"""Pipeline reference for scband-gatnet-16801912062045 (READ-ONLY COPY).

The authoritative reference and input builder live on the scoring server;
editing this copy changes nothing except your own understanding.
"""

import jax, jax.numpy as jnp
import numpy as np

N_NODES = 10000
N_EDGES = 320000
D_FEAT = 128
HEADS1 = 8
HID = 16
NUM_CLASSES = 16


def setup_inputs(seed: int = 0) -> dict:
    key = jax.random.key(seed)
    ks = jax.random.split(key, 12)
    x = jax.random.normal(ks[0], (N_NODES, D_FEAT), dtype=jnp.float32)
    edge_index = jax.random.randint(ks[1], (2, N_EDGES), 0, N_NODES, dtype=jnp.int64)
    W1 = jax.random.normal(ks[2], (D_FEAT, HEADS1 * HID), dtype=jnp.float32) * 0.1
    att_src1 = jax.random.normal(ks[3], (HEADS1, HID), dtype=jnp.float32) * 0.1
    att_dst1 = jax.random.normal(ks[4], (HEADS1, HID), dtype=jnp.float32) * 0.1
    b1 = jnp.zeros((HEADS1 * HID,), dtype=jnp.float32)
    W2 = jax.random.normal(ks[5], (HEADS1 * HID, NUM_CLASSES), dtype=jnp.float32) * 0.1
    att_src2 = jax.random.normal(ks[6], (1, NUM_CLASSES), dtype=jnp.float32) * 0.1
    att_dst2 = jax.random.normal(ks[7], (1, NUM_CLASSES), dtype=jnp.float32) * 0.1
    b2 = jnp.zeros((NUM_CLASSES,), dtype=jnp.float32)
    return {"x": x, "edge_index": edge_index, "W1": W1, "att_src1": att_src1,
            "att_dst1": att_dst1, "b1": b1, "W2": W2, "att_src2": att_src2,
            "att_dst2": att_dst2, "b2": b2}


def _gat_layer(x, edge_src, edge_dst, W, a_src, a_dst, b, heads, out_dim, concat):
    N = x.shape[0]
    h = (x @ W).reshape(N, heads, out_dim)
    alpha_s = (h * a_src[None, :, :]).sum(-1)  # [N, heads]
    alpha_d = (h * a_dst[None, :, :]).sum(-1)  # [N, heads]
    e = alpha_s[edge_src] + alpha_d[edge_dst]  # [E, heads]
    e = jax.nn.leaky_relu(e, negative_slope=0.2)
    emax = jax.ops.segment_max(e, edge_dst, num_segments=N)
    emax = jnp.where(jnp.isfinite(emax), emax, 0.0)
    ex = jnp.exp(e - emax[edge_dst])
    denom = jax.ops.segment_sum(ex, edge_dst, num_segments=N)
    alpha = ex / (denom[edge_dst] + 1e-16)  # [E, heads]
    msg = h[edge_src] * alpha[:, :, None]  # [E, heads, out_dim]
    out = jax.ops.segment_sum(msg, edge_dst, num_segments=N)  # [N, heads, out_dim]
    if concat:
        out = out.reshape(N, heads * out_dim)
    else:
        out = out.mean(axis=1)
    return out + b


def reference(x, edge_index, W1, att_src1, att_dst1, b1, W2, att_src2, att_dst2, b2):
    # eval mode: dropout layers are identity
    src = edge_index[0]
    dst = edge_index[1]
    x1 = _gat_layer(x, src, dst, W1, att_src1, att_dst1, b1, HEADS1, HID, True)
    x1 = jax.nn.elu(x1)
    x2 = _gat_layer(x1, src, dst, W2, att_src2, att_dst2, b2, 1, NUM_CLASSES, False)
    return jax.nn.log_softmax(x2, axis=-1)

if __name__ == "__main__":
    import jax
    _d = setup_inputs()
    print(jax.jit(kernel)(*tuple(_d.values())))

</pallas_src>

<mosaic_0001>
#map = affine_map<(d0, d1) -> (0, 0)>
#map1 = affine_map<(d0, d1) -> (0, 0, 0)>
module attributes {stable_mosaic.version = 14 : i64} {
  func.func @edge_pass(%arg0: i32, %arg1: i32, %arg2: memref<10000x32xf32, #tpu.memory_space<hbm>>, %arg3: memref<10000x16xf32, #tpu.memory_space<hbm>>, %arg4: memref<32x125x80xi32, #tpu.memory_space<hbm>>, %arg5: memref<32x125x80xi32, #tpu.memory_space<hbm>>, %arg6: memref<2x10240x32xf32, #tpu.memory_space<hbm>>, %arg7: memref<5x80xi32, #tpu.memory_space<vmem>>, %arg8: memref<5x80xi32, #tpu.memory_space<vmem>>, %arg9: memref<80x32xf32, #tpu.memory_space<vmem>>, %arg10: memref<80x16xf32, #tpu.memory_space<vmem>>, %arg11: memref<80x32xf32, #tpu.memory_space<vmem>>, %arg12: memref<10240x32xf32, #tpu.memory_space<vmem_shared>>, %arg13: memref<!tpu.dma_semaphore, #tpu.memory_space<semaphore_mem>>, %arg14: memref<!tpu.dma_semaphore, #tpu.memory_space<semaphore_mem>>) attributes {dimension_semantics = [#tpu.dimension_semantics<core_parallel>, #tpu.dimension_semantics<subcore_parallel>], iteration_bounds = array<i64: 2, 16>, scalar_prefetch = 0 : i64, scratch_operands = 8 : i64, tpu.core_type = #tpu.core_type<sc_vector_subcore>, window_params = [{transform_indices = #map}, {transform_indices = #map}, {transform_indices = #map1}, {transform_indices = #map1}, {transform_indices = #map1}]} {
    %mul3A = arith.constant 16 : i32
    %mul3A_0 = arith.muli %arg0, %mul3A : i32
    %add3A = arith.addi %mul3A_0, %arg1 : i32
    %scan3A = arith.constant 0 : i32
    %scan3A_1 = arith.constant 0 : i32
    %scan3A_2 = arith.constant 80 : i32
    %scan3A_3 = arith.addi %scan3A_1, %scan3A_2 : i32
    %scan3A_4 = arith.constant 1 : i32
    scf.for %scan3A_25 = %scan3A_1 to %scan3A_3 step %scan3A_4  : i32 {
      %broadcast_in_dim3A = arith.constant 0.000000e+00 : f32
      %broadcast_in_dim3A_26 = vector.broadcast %broadcast_in_dim3A : f32 to vector<16xf32>
      %swap3A = arith.index_cast %scan3A_25 : i32 to index
      %swap3A_27 = arith.constant 0 : index
      %swap3A_28 = tpu.vector_load %arg11[%swap3A, %swap3A_27] {strides = array<i32>} : memref<80x32xf32, #tpu.memory_space<vmem>>, vector<1x16xf32>,
      %swap3A_29 = vector.shape_cast %swap3A_28 : vector<1x16xf32> to vector<16xf32>
      %swap3A_30 = vector.shape_cast %broadcast_in_dim3A_26 : vector<16xf32> to vector<1x16xf32>
      tpu.vector_store %arg11[%swap3A, %swap3A_27], %swap3A_30 {strides = array<i32>} : memref<80x32xf32, #tpu.memory_space<vmem>>, vector<1x16xf32>,
      %broadcast_in_dim3A_31 = arith.constant 0.000000e+00 : f32
      %broadcast_in_dim3A_32 = vector.broadcast %broadcast_in_dim3A_31 : f32 to vector<16xf32>
      %swap3A_33 = arith.index_cast %scan3A_25 : i32 to index
      %swap3A_34 = arith.constant 16 : index
      %swap3A_35 = tpu.vector_load %arg11[%swap3A_33, %swap3A_34] {strides = array<i32>} : memref<80x32xf32, #tpu.memory_space<vmem>>, vector<1x16xf32>,
      %swap3A_36 = vector.shape_cast %swap3A_35 : vector<1x16xf32> to vector<16xf32>
      %swap3A_37 = vector.shape_cast %broadcast_in_dim3A_32 : vector<16xf32> to vector<1x16xf32>
      tpu.vector_store %arg11[%swap3A_33, %swap3A_34], %swap3A_37 {strides = array<i32>} : memref<80x32xf32, #tpu.memory_space<vmem>>, vector<1x16xf32>,
    }
    %scan3A_5 = arith.constant 80 : i32
    %scan3A_6 = arith.constant 0 : i32
    %scan3A_7 = arith.constant 0 : i32
    %scan3A_8 = arith.constant 8 : i32
    %scan3A_9 = arith.addi %scan3A_7, %scan3A_8 : i32
    %scan3A_10 = arith.constant 1 : i32
    scf.for %scan3A_25 = %scan3A_7 to %scan3A_9 step %scan3A_10  : i32 {
      %mul3A_26 = arith.constant 640 : i32
      %mul3A_27 = arith.muli %arg1, %mul3A_26 : i32
      %mul3A_28 = arith.constant 80 : i32
      %mul3A_29 = arith.muli %scan3A_25, %mul3A_28 : i32
      %add3A_30 = arith.addi %mul3A_27, %mul3A_29 : i32
      "tpu.region"() ({
        %run_scoped3A = tpu.sem_alloc : memref<!tpu.dma_semaphore, #tpu.memory_space<semaphore_mem>>
        %dma_start3A = arith.constant 0 : i32
        %dma_start3A_31 = tpu.memref_slice %arg12[%add3A_30, %dma_start3A] : memref<10240x32xf32, #tpu.memory_space<vmem_shared>> -> memref<80x32xf32, #tpu.memory_space<vmem_shared>>
        %dma_start3A_32 = arith.constant 0 : i32
        %dma_start3A_33 = tpu.memref_slice %arg12[%add3A_30, %dma_start3A_32] : memref<10240x32xf32, #tpu.memory_space<vmem_shared>> -> memref<80x32xf32, #tpu.memory_space<vmem_shared>>
        tpu.enqueue_dma source(%arg11 : memref<80x32xf32, #tpu.memory_space<vmem>>) target(%dma_start3A_33 : memref<80x32xf32, #tpu.memory_space<vmem_shared>>) target_semaphore(%run_scoped3A : memref<!tpu.dma_semaphore, #tpu.memory_space<semaphore_mem>>)
        %dma_wait3A = arith.constant 0 : i32
        %dma_wait3A_34 = tpu.memref_slice %arg12[%add3A_30, %dma_wait3A] : memref<10240x32xf32, #tpu.memory_space<vmem_shared>> -> memref<80x32xf32, #tpu.memory_space<vmem_shared>>
        %dma_wait3A_35 = arith.constant 0 : i32
        %dma_wait3A_36 = tpu.memref_slice %arg12[%add3A_30, %dma_wait3A_35] : memref<10240x32xf32, #tpu.memory_space<vmem_shared>> -> memref<80x32xf32, #tpu.memory_space<vmem_shared>>
        tpu.wait_dma2 semaphore(%run_scoped3A : memref<!tpu.dma_semaphore, #tpu.memory_space<semaphore_mem>>) src(%arg11 : memref<80x32xf32, #tpu.memory_space<vmem>>) dst(%dma_wait3A_36 : memref<80x32xf32, #tpu.memory_space<vmem_shared>>)
        tpu.yield
      }) : () -> ()
    }
    %scan3A_11 = arith.constant 8 : i32
    %barrier3A = arith.constant 0 : index
    tpu.barrier barrier_id(%barrier3A)
    %scan3A_12 = arith.constant 0 : i32
    %scan3A_13 = arith.constant 0 : i32
    %scan3A_14 = arith.constant 25 : i32
    %scan3A_15 = arith.addi %scan3A_13, %scan3A_14 : i32
    %scan3A_16 = arith.constant 1 : i32
    scf.for %scan3A_25 = %scan3A_13 to %scan3A_15 step %scan3A_16  : i32 {
      %mul3A_26 = arith.constant 5 : i32
      %mul3A_27 = arith.muli %scan3A_25, %mul3A_26 : i32
      %dma_start3A = arith.constant 0 : i32
      %dma_start3A_28 = tpu.memref_slice %arg4[%add3A, %mul3A_27, %dma_start3A] : memref<32x125x80xi32, #tpu.memory_space<hbm>> -> memref<1x5x80xi32, #tpu.memory_space<hbm>>
      %dma_start3A_29 = tpu.memref_squeeze %dma_start3A_28 : memref<1x5x80xi32, #tpu.memory_space<hbm>> -> memref<5x80xi32, #tpu.memory_space<hbm>>
      %dma_start3A_30 = arith.constant 0 : i32
      %dma_start3A_31 = tpu.memref_slice %arg4[%add3A, %mul3A_27, %dma_start3A_30] : memref<32x125x80xi32, #tpu.memory_space<hbm>> -> memref<1x5x80xi32, #tpu.memory_space<hbm>>
      %dma_start3A_32 = tpu.memref_squeeze %dma_start3A_31 : memref<1x5x80xi32, #tpu.memory_space<hbm>> -> memref<5x80xi32, #tpu.memory_space<hbm>>
      tpu.enqueue_dma source(%dma_start3A_32 : memref<5x80xi32, #tpu.memory_space<hbm>>) target(%arg7 : memref<5x80xi32, #tpu.memory_space<vmem>>) target_semaphore(%arg13 : memref<!tpu.dma_semaphore, #tpu.memory_space<semaphore_mem>>)
      %mul3A_33 = arith.constant 5 : i32
      %mul3A_34 = arith.muli %scan3A_25, %mul3A_33 : i32
      %dma_start3A_35 = arith.constant 0 : i32
      %dma_start3A_36 = tpu.memref_slice %arg5[%add3A, %mul3A_34, %dma_start3A_35] : memref<32x125x80xi32, #tpu.memory_space<hbm>> -> memref<1x5x80xi32, #tpu.memory_space<hbm>>
      %dma_start3A_37 = tpu.memref_squeeze %dma_start3A_36 : memref<1x5x80xi32, #tpu.memory_space<hbm>> -> memref<5x80xi32, #tpu.memory_space<hbm>>
      %dma_start3A_38 = arith.constant 0 : i32
      %dma_start3A_39 = tpu.memref_slice %arg5[%add3A, %mul3A_34, %dma_start3A_38] : memref<32x125x80xi32, #tpu.memory_space<hbm>> -> memref<1x5x80xi32, #tpu.memory_space<hbm>>
      %dma_start3A_40 = tpu.memref_squeeze %dma_start3A_39 : memref<1x5x80xi32, #tpu.memory_space<hbm>> -> memref<5x80xi32, #tpu.memory_space<hbm>>
      tpu.enqueue_dma source(%dma_start3A_40 : memref<5x80xi32, #tpu.memory_space<hbm>>) target(%arg8 : memref<5x80xi32, #tpu.memory_space<vmem>>) target_semaphore(%arg14 : memref<!tpu.dma_semaphore, #tpu.memory_space<semaphore_mem>>)
      %dma_wait3A = arith.constant 0 : i32
      %dma_wait3A_41 = tpu.memref_slice %arg4[%add3A, %mul3A_27, %dma_wait3A] : memref<32x125x80xi32, #tpu.memory_space<hbm>> -> memref<1x5x80xi32, #tpu.memory_space<hbm>>
      %dma_wait3A_42 = tpu.memref_squeeze %dma_wait3A_41 : memref<1x5x80xi32, #tpu.memory_space<hbm>> -> memref<5x80xi32, #tpu.memory_space<hbm>>
      %dma_wait3A_43 = arith.constant 0 : i32
      %dma_wait3A_44 = tpu.memref_slice %arg4[%add3A, %mul3A_27, %dma_wait3A_43] : memref<32x125x80xi32, #tpu.memory_space<hbm>> -> memref<1x5x80xi32, #tpu.memory_space<hbm>>
      %dma_wait3A_45 = tpu.memref_squeeze %dma_wait3A_44 : memref<1x5x80xi32, #tpu.memory_space<hbm>> -> memref<5x80xi32, #tpu.memory_space<hbm>>
      tpu.wait_dma2 semaphore(%arg13 : memref<!tpu.dma_semaphore, #tpu.memory_space<semaphore_mem>>) src(%dma_wait3A_45 : memref<5x80xi32, #tpu.memory_space<hbm>>) dst(%arg7 : memref<5x80xi32, #tpu.memory_space<vmem>>)
      %dma_wait3A_46 = arith.constant 0 : i32
      %dma_wait3A_47 = tpu.memref_slice %arg5[%add3A, %mul3A_34, %dma_wait3A_46] : memref<32x125x80xi32, #tpu.memory_space<hbm>> -> memref<1x5x80xi32, #tpu.memory_space<hbm>>
      %dma_wait3A_48 = tpu.memref_squeeze %dma_wait3A_47 : memref<1x5x80xi32, #tpu.memory_space<hbm>> -> memref<5x80xi32, #tpu.memory_space<hbm>>
      %dma_wait3A_49 = arith.constant 0 : i32
      %dma_wait3A_50 = tpu.memref_slice %arg5[%add3A, %mul3A_34, %dma_wait3A_49] : memref<32x125x80xi32, #tpu.memory_space<hbm>> -> memref<1x5x80xi32, #tpu.memory_space<hbm>>
      %dma_wait3A_51 = tpu.memref_squeeze %dma_wait3A_50 : memref<1x5x80xi32, #tpu.memory_space<hbm>> -> memref<5x80xi32, #tpu.memory_space<hbm>>
      tpu.wait_dma2 semaphore(%arg14 : memref<!tpu.dma_semaphore, #tpu.memory_space<semaphore_mem>>) src(%dma_wait3A_51 : memref<5x80xi32, #tpu.memory_space<hbm>>) dst(%arg8 : memref<5x80xi32, #tpu.memory_space<vmem>>)
      %scan3A_52 = arith.constant 0 : i32
      %scan3A_53 = arith.constant 0 : i32
      %scan3A_54 = arith.constant 5 : i32
      %scan3A_55 = arith.addi %scan3A_53, %scan3A_54 : i32
      %scan3A_56 = arith.constant 1 : i32
      scf.for %scan3A_58 = %scan3A_53 to %scan3A_55 step %scan3A_56  : i32 {
        %dma_start3A_59 = arith.constant 0 : i32
        %dma_start3A_60 = tpu.memref_slice %arg7[%scan3A_58, %dma_start3A_59] : memref<5x80xi32, #tpu.memory_space<vmem>> -> memref<1x80xi32, #tpu.memory_space<vmem>>
        %dma_start3A_61 = tpu.memref_squeeze %dma_start3A_60 : memref<1x80xi32, #tpu.memory_space<vmem>> -> memref<80xi32, #tpu.memory_space<vmem>>
        %dma_start3A_62 = arith.constant 0 : i32
        %dma_start3A_63 = arith.constant 0 : i32
        %dma_start3A_64 = tpu.memref_slice %arg2[%dma_start3A_62, %dma_start3A_63] : memref<10000x32xf32, #tpu.memory_space<hbm>> -> memref<10000x32xf32, #tpu.memory_space<hbm>>
        tpu.enqueue_indirect_dma source(%dma_start3A_64 : memref<10000x32xf32, #tpu.memory_space<hbm>>) target(%arg9 : memref<80x32xf32, #tpu.memory_space<vmem>>) offsets(%dma_start3A_61 : memref<80xi32, #tpu.memory_space<vmem>>) semaphore(%arg13 : memref<!tpu.dma_semaphore, #tpu.memory_space<semaphore_mem>>)
        %dma_start3A_65 = arith.constant 0 : i32
        %dma_start3A_66 = tpu.memref_slice %arg8[%scan3A_58, %dma_start3A_65] : memref<5x80xi32, #tpu.memory_space<vmem>> -> memref<1x80xi32, #tpu.memory_space<vmem>>
        %dma_start3A_67 = tpu.memref_squeeze %dma_start3A_66 : memref<1x80xi32, #tpu.memory_space<vmem>> -> memref<80xi32, #tpu.memory_space<vmem>>
        %dma_start3A_68 = arith.constant 0 : i32
        %dma_start3A_69 = arith.constant 0 : i32
        %dma_start3A_70 = tpu.memref_slice %arg3[%dma_start3A_68, %dma_start3A_69] : memref<10000x16xf32, #tpu.memory_space<hbm>> -> memref<10000x16xf32, #tpu.memory_space<hbm>>
        tpu.enqueue_indirect_dma source(%dma_start3A_70 : memref<10000x16xf32, #tpu.memory_space<hbm>>) target(%arg10 : memref<80x16xf32, #tpu.memory_space<vmem>>) offsets(%dma_start3A_67 : memref<80xi32, #tpu.memory_space<vmem>>) semaphore(%arg14 : memref<!tpu.dma_semaphore, #tpu.memory_space<semaphore_mem>>)
        %dma_wait3A_71 = arith.constant 0 : i32
        %dma_wait3A_72 = tpu.memref_slice %arg7[%scan3A_58, %dma_wait3A_71] : memref<5x80xi32, #tpu.memory_space<vmem>> -> memref<1x80xi32, #tpu.memory_space<vmem>>
        %dma_wait3A_73 = tpu.memref_squeeze %dma_wait3A_72 : memref<1x80xi32, #tpu.memory_space<vmem>> -> memref<80xi32, #tpu.memory_space<vmem>>
        %dma_wait3A_74 = arith.constant 0 : i32
        %dma_wait3A_75 = arith.constant 0 : i32
        %dma_wait3A_76 = tpu.memref_slice %arg2[%dma_wait3A_74, %dma_wait3A_75] : memref<10000x32xf32, #tpu.memory_space<hbm>> -> memref<10000x32xf32, #tpu.memory_space<hbm>>
        tpu.wait_indirect_dma semaphore(%arg13 : memref<!tpu.dma_semaphore, #tpu.memory_space<semaphore_mem>>) src(%dma_wait3A_76 : memref<10000x32xf32, #tpu.memory_space<hbm>>) dst(%arg9 : memref<80x32xf32, #tpu.memory_space<vmem>>)
        %dma_wait3A_77 = arith.constant 0 : i32
        %dma_wait3A_78 = tpu.memref_slice %arg8[%scan3A_58, %dma_wait3A_77] : memref<5x80xi32, #tpu.memory_space<vmem>> -> memref<1x80xi32, #tpu.memory_space<vmem>>
        %dma_wait3A_79 = tpu.memref_squeeze %dma_wait3A_78 : memref<1x80xi32, #tpu.memory_space<vmem>> -> memref<80xi32, #tpu.memory_space<vmem>>
        %dma_wait3A_80 = arith.constant 0 : i32
        %dma_wait3A_81 = arith.constant 0 : i32
        %dma_wait3A_82 = tpu.memref_slice %arg3[%dma_wait3A_80, %dma_wait3A_81] : memref<10000x16xf32, #tpu.memory_space<hbm>> -> memref<10000x16xf32, #tpu.memory_space<hbm>>
        tpu.wait_indirect_dma semaphore(%arg14 : memref<!tpu.dma_semaphore, #tpu.memory_space<semaphore_mem>>) src(%dma_wait3A_82 : memref<10000x16xf32, #tpu.memory_space<hbm>>) dst(%arg10 : memref<80x16xf32, #tpu.memory_space<vmem>>)
        %scan3A_83 = arith.constant 0 : i32
        %scan3A_84 = arith.constant 0 : i32
        %scan3A_85 = arith.constant 80 : i32
        %scan3A_86 = arith.addi %scan3A_84, %scan3A_85 : i32
        %scan3A_87 = arith.constant 1 : i32
        scf.for %scan3A_89 = %scan3A_84 to %scan3A_86 step %scan3A_87  : i32 {
          %get3A = arith.index_cast %scan3A_89 : i32 to index
          %get3A_90 = arith.constant 0 : index
          %get3A_91 = tpu.vector_load %arg10[%get3A, %get3A_90] {strides = array<i32>} : memref<80x16xf32, #tpu.memory_space<vmem>>, vector<1x16xf32>,
          %get3A_92 = vector.shape_cast %get3A_91 : vector<1x16xf32> to vector<16xf32>
          %get3A_93 = arith.index_cast %scan3A_89 : i32 to index
          %get3A_94 = arith.constant 16 : index
          %get3A_95 = tpu.vector_load %arg9[%get3A_93, %get3A_94] {strides = array<i32>} : memref<80x32xf32, #tpu.memory_space<vmem>>, vector<1x16xf32>,
          %get3A_96 = vector.shape_cast %get3A_95 : vector<1x16xf32> to vector<16xf32>
          %add3A_97 = arith.addf %get3A_96, %get3A_92 : vector<16xf32>
          %ge3A = arith.constant 0.000000e+00 : f32
          %ge3A_98 = vector.broadcast %ge3A : f32 to vector<16xf32>
          %ge3A_99 = arith.cmpf oge, %add3A_97, %ge3A_98 : vector<16xf32>
          %mul3A_100 = arith.constant 2.000000e-01 : f32
          %mul3A_101 = vector.broadcast %mul3A_100 : f32 to vector<16xf32>
          %mul3A_102 = arith.mulf %mul3A_101, %add3A_97 : vector<16xf32>
          %select_n3A = arith.select %ge3A_99, %add3A_97, %mul3A_102 : vector<16xi1>, vector<16xf32>
          %exp3A = math.exp %select_n3A : vector<16xf32>
          %slice3A = vector.extract_strided_slice %exp3A {offsets = [0], sizes = [1], strides = [1]} : vector<16xf32> to vector<1xf32>
          %squeeze3A = vector.extract %slice3A[0] : f32 from vector<1xf32>
          %broadcast_in_dim3A = vector.broadcast %squeeze3A : f32 to vector<16xf32>
          %get3A_103 = arith.index_cast %scan3A_89 : i32 to index
          %get3A_104 = arith.constant 0 : index
          %get3A_105 = tpu.vector_load %arg9[%get3A_103, %get3A_104] {strides = array<i32>} : memref<80x32xf32, #tpu.memory_space<vmem>>, vector<1x16xf32>,
          %get3A_106 = vector.shape_cast %get3A_105 : vector<1x16xf32> to vector<16xf32>
          %mul3A_107 = arith.mulf %get3A_106, %broadcast_in_dim3A : vector<16xf32>
          %swap3A = arith.index_cast %scan3A_89 : i32 to index
          %swap3A_108 = arith.constant 0 : index
          %swap3A_109 = tpu.vector_load %arg11[%swap3A, %swap3A_108] {strides = array<i32>} : memref<80x32xf32, #tpu.memory_space<vmem>>, vector<1x16xf32>,
          %swap3A_110 = vector.shape_cast %swap3A_109 : vector<1x16xf32> to vector<16xf32>
          %swap3A_111 = vector.shape_cast %mul3A_107 : vector<16xf32> to vector<1x16xf32>
          tpu.vector_store %arg11[%swap3A, %swap3A_108], %swap3A_111 {strides = array<i32>} : memref<80x32xf32, #tpu.memory_space<vmem>>, vector<1x16xf32>,
          %swap3A_112 = arith.index_cast %scan3A_89 : i32 to index
          %swap3A_113 = arith.constant 16 : index
          %swap3A_114 = tpu.vector_load %arg11[%swap3A_112, %swap3A_113] {strides = array<i32>} : memref<80x32xf32, #tpu.memory_space<vmem>>, vector<1x16xf32>,
          %swap3A_115 = vector.shape_cast %swap3A_114 : vector<1x16xf32> to vector<16xf32>
          %swap3A_116 = vector.shape_cast %exp3A : vector<16xf32> to vector<1x16xf32>
          tpu.vector_store %arg11[%swap3A_112, %swap3A_113], %swap3A_116 {strides = array<i32>} : memref<80x32xf32, #tpu.memory_space<vmem>>, vector<1x16xf32>,
        }
        %scan3A_88 = arith.constant 80 : i32
        "tpu.region"() ({
          %run_scoped3A = tpu.sem_alloc : memref<!tpu.dma_semaphore, #tpu.memory_space<semaphore_mem>>
          %dma_start3A_89 = arith.constant 0 : i32
          %dma_start3A_90 = tpu.memref_slice %arg8[%scan3A_58, %dma_start3A_89] : memref<5x80xi32, #tpu.memory_space<vmem>> -> memref<1x80xi32, #tpu.memory_space<vmem>>
          %dma_start3A_91 = tpu.memref_squeeze %dma_start3A_90 : memref<1x80xi32, #tpu.memory_space<vmem>> -> memref<80xi32, #tpu.memory_space<vmem>>
          %dma_start3A_92 = arith.constant 0 : i32
          %dma_start3A_93 = arith.constant 0 : i32
          %dma_start3A_94 = tpu.memref_slice %arg12[%dma_start3A_92, %dma_start3A_93] : memref<10240x32xf32, #tpu.memory_space<vmem_shared>> -> memref<10240x32xf32, #tpu.memory_space<vmem_shared>>
          tpu.enqueue_indirect_dma source(%arg11 : memref<80x32xf32, #tpu.memory_space<vmem>>) target(%dma_start3A_94 : memref<10240x32xf32, #tpu.memory_space<vmem_shared>>) offsets(%dma_start3A_91 : memref<80xi32, #tpu.memory_space<vmem>>) semaphore(%run_scoped3A : memref<!tpu.dma_semaphore, #tpu.memory_space<semaphore_mem>>) {add = true}
          %dma_wait3A_95 = arith.constant 0 : i32
          %dma_wait3A_96 = tpu.memref_slice %arg8[%scan3A_58, %dma_wait3A_95] : memref<5x80xi32, #tpu.memory_space<vmem>> -> memref<1x80xi32, #tpu.memory_space<vmem>>
          %dma_wait3A_97 = tpu.memref_squeeze %dma_wait3A_96 : memref<1x80xi32, #tpu.memory_space<vmem>> -> memref<80xi32, #tpu.memory_space<vmem>>
          %dma_wait3A_98 = arith.constant 0 : i32
          %dma_wait3A_99 = arith.constant 0 : i32
          %dma_wait3A_100 = tpu.memref_slice %arg12[%dma_wait3A_98, %dma_wait3A_99] : memref<10240x32xf32, #tpu.memory_space<vmem_shared>> -> memref<10240x32xf32, #tpu.memory_space<vmem_shared>>
          tpu.wait_indirect_dma semaphore(%run_scoped3A : memref<!tpu.dma_semaphore, #tpu.memory_space<semaphore_mem>>) src(%arg11 : memref<80x32xf32, #tpu.memory_space<vmem>>) dst(%dma_wait3A_100 : memref<10240x32xf32, #tpu.memory_space<vmem_shared>>)
          tpu.yield
        }) : () -> ()
      }
      %scan3A_57 = arith.constant 5 : i32
    }
    %scan3A_17 = arith.constant 25 : i32
    %barrier3A_18 = arith.constant 0 : index
    tpu.barrier barrier_id(%barrier3A_18)
    %scan3A_19 = arith.constant 0 : i32
    %scan3A_20 = arith.constant 0 : i32
    %scan3A_21 = arith.constant 8 : i32
    %scan3A_22 = arith.addi %scan3A_20, %scan3A_21 : i32
    %scan3A_23 = arith.constant 1 : i32
    scf.for %scan3A_25 = %scan3A_20 to %scan3A_22 step %scan3A_23  : i32 {
      %mul3A_26 = arith.constant 640 : i32
      %mul3A_27 = arith.muli %arg1, %mul3A_26 : i32
      %mul3A_28 = arith.constant 80 : i32
      %mul3A_29 = arith.muli %scan3A_25, %mul3A_28 : i32
      %add3A_30 = arith.addi %mul3A_27, %mul3A_29 : i32
      "tpu.region"() ({
        %run_scoped3A = tpu.sem_alloc : memref<!tpu.dma_semaphore, #tpu.memory_space<semaphore_mem>>
        %dma_start3A = arith.constant 0 : i32
        %dma_start3A_31 = tpu.memref_slice %arg12[%add3A_30, %dma_start3A] : memref<10240x32xf32, #tpu.memory_space<vmem_shared>> -> memref<80x32xf32, #tpu.memory_space<vmem_shared>>
        %dma_start3A_32 = arith.constant 0 : i32
        %dma_start3A_33 = tpu.memref_slice %arg12[%add3A_30, %dma_start3A_32] : memref<10240x32xf32, #tpu.memory_space<vmem_shared>> -> memref<80x32xf32, #tpu.memory_space<vmem_shared>>
        tpu.enqueue_dma source(%dma_start3A_33 : memref<80x32xf32, #tpu.memory_space<vmem_shared>>) target(%arg11 : memref<80x32xf32, #tpu.memory_space<vmem>>) target_semaphore(%run_scoped3A : memref<!tpu.dma_semaphore, #tpu.memory_space<semaphore_mem>>)
        %dma_wait3A = arith.constant 0 : i32
        %dma_wait3A_34 = tpu.memref_slice %arg12[%add3A_30, %dma_wait3A] : memref<10240x32xf32, #tpu.memory_space<vmem_shared>> -> memref<80x32xf32, #tpu.memory_space<vmem_shared>>
        %dma_wait3A_35 = arith.constant 0 : i32
        %dma_wait3A_36 = tpu.memref_slice %arg12[%add3A_30, %dma_wait3A_35] : memref<10240x32xf32, #tpu.memory_space<vmem_shared>> -> memref<80x32xf32, #tpu.memory_space<vmem_shared>>
        tpu.wait_dma2 semaphore(%run_scoped3A : memref<!tpu.dma_semaphore, #tpu.memory_space<semaphore_mem>>) src(%dma_wait3A_36 : memref<80x32xf32, #tpu.memory_space<vmem_shared>>) dst(%arg11 : memref<80x32xf32, #tpu.memory_space<vmem>>)
        tpu.yield
      }) : () -> ()
      "tpu.region"() ({
        %run_scoped3A = tpu.sem_alloc : memref<!tpu.dma_semaphore, #tpu.memory_space<semaphore_mem>>
        %dma_start3A = arith.constant 0 : i32
        %dma_start3A_31 = tpu.memref_slice %arg6[%arg0, %add3A_30, %dma_start3A] : memref<2x10240x32xf32, #tpu.memory_space<hbm>> -> memref<1x80x32xf32, #tpu.memory_space<hbm>>
        %dma_start3A_32 = tpu.memref_squeeze %dma_start3A_31 : memref<1x80x32xf32, #tpu.memory_space<hbm>> -> memref<80x32xf32, #tpu.memory_space<hbm>>
        %dma_start3A_33 = arith.constant 0 : i32
        %dma_start3A_34 = tpu.memref_slice %arg6[%arg0, %add3A_30, %dma_start3A_33] : memref<2x10240x32xf32, #tpu.memory_space<hbm>> -> memref<1x80x32xf32, #tpu.memory_space<hbm>>
        %dma_start3A_35 = tpu.memref_squeeze %dma_start3A_34 : memref<1x80x32xf32, #tpu.memory_space<hbm>> -> memref<80x32xf32, #tpu.memory_space<hbm>>
        tpu.enqueue_dma source(%arg11 : memref<80x32xf32, #tpu.memory_space<vmem>>) target(%dma_start3A_35 : memref<80x32xf32, #tpu.memory_space<hbm>>) target_semaphore(%run_scoped3A : memref<!tpu.dma_semaphore, #tpu.memory_space<semaphore_mem>>)
        %dma_wait3A = arith.constant 0 : i32
        %dma_wait3A_36 = tpu.memref_slice %arg6[%arg0, %add3A_30, %dma_wait3A] : memref<2x10240x32xf32, #tpu.memory_space<hbm>> -> memref<1x80x32xf32, #tpu.memory_space<hbm>>
        %dma_wait3A_37 = tpu.memref_squeeze %dma_wait3A_36 : memref<1x80x32xf32, #tpu.memory_space<hbm>> -> memref<80x32xf32, #tpu.memory_space<hbm>>
        %dma_wait3A_38 = arith.constant 0 : i32
        %dma_wait3A_39 = tpu.memref_slice %arg6[%arg0, %add3A_30, %dma_wait3A_38] : memref<2x10240x32xf32, #tpu.memory_space<hbm>> -> memref<1x80x32xf32, #tpu.memory_space<hbm>>
        %dma_wait3A_40 = tpu.memref_squeeze %dma_wait3A_39 : memref<1x80x32xf32, #tpu.memory_space<hbm>> -> memref<80x32xf32, #tpu.memory_space<hbm>>
        tpu.wait_dma2 semaphore(%run_scoped3A : memref<!tpu.dma_semaphore, #tpu.memory_space<semaphore_mem>>) src(%arg11 : memref<80x32xf32, #tpu.memory_space<vmem>>) dst(%dma_wait3A_40 : memref<80x32xf32, #tpu.memory_space<hbm>>)
        tpu.yield
      }) : () -> ()
    }
    %scan3A_24 = arith.constant 8 : i32
    return
  }
}

#map = affine_map<(d0, d1) -> (0, 0)>
#map1 = affine_map<(d0, d1) -> (0, 0, 0)>
module attributes {stable_mosaic.version = 14 : i64} {
  func.func @edge_pass(%arg0: i32, %arg1: i32, %arg2: memref<10000x144xf32, #tpu.memory_space<hbm>>, %arg3: memref<10000x16xf32, #tpu.memory_space<hbm>>, %arg4: memref<32x125x80xi32, #tpu.memory_space<hbm>>, %arg5: memref<32x125x80xi32, #tpu.memory_space<hbm>>, %arg6: memref<2x10240x144xf32, #tpu.memory_space<hbm>>, %arg7: memref<5x80xi32, #tpu.memory_space<vmem>>, %arg8: memref<5x80xi32, #tpu.memory_space<vmem>>, %arg9: memref<80x144xf32, #tpu.memory_space<vmem>>, %arg10: memref<80x16xf32, #tpu.memory_space<vmem>>, %arg11: memref<80x144xf32, #tpu.memory_space<vmem>>, %arg12: memref<10240x144xf32, #tpu.memory_space<vmem_shared>>, %arg13: memref<!tpu.dma_semaphore, #tpu.memory_space<semaphore_mem>>, %arg14: memref<!tpu.dma_semaphore, #tpu.memory_space<semaphore_mem>>) attributes {dimension_semantics = [#tpu.dimension_semantics<core_parallel>, #tpu.dimension_semantics<subcore_parallel>], iteration_bounds = array<i64: 2, 16>, scalar_prefetch = 0 : i64, scratch_operands = 8 : i64, tpu.core_type = #tpu.core_type<sc_vector_subcore>, window_params = [{transform_indices = #map}, {transform_indices = #map}, {transform_indices = #map1}, {transform_indices = #map1}, {transform_indices = #map1}]} {
    %mul3A = arith.constant 16 : i32
    %mul3A_0 = arith.muli %arg0, %mul3A : i32
    %add3A = arith.addi %mul3A_0, %arg1 : i32
    %scan3A = arith.constant 0 : i32
    %scan3A_1 = arith.constant 0 : i32
    %scan3A_2 = arith.constant 80 : i32
    %scan3A_3 = arith.addi %scan3A_1, %scan3A_2 : i32
    %scan3A_4 = arith.constant 1 : i32
    scf.for %scan3A_25 = %scan3A_1 to %scan3A_3 step %scan3A_4  : i32 {
      %broadcast_in_dim3A = arith.constant 0.000000e+00 : f32
      %broadcast_in_dim3A_26 = vector.broadcast %broadcast_in_dim3A : f32 to vector<16xf32>
      %swap3A = arith.index_cast %scan3A_25 : i32 to index
      %swap3A_27 = arith.constant 0 : index
      %swap3A_28 = tpu.vector_load %arg11[%swap3A, %swap3A_27] {strides = array<i32>} : memref<80x144xf32, #tpu.memory_space<vmem>>, vector<1x16xf32>,
      %swap3A_29 = vector.shape_cast %swap3A_28 : vector<1x16xf32> to vector<16xf32>
      %swap3A_30 = vector.shape_cast %broadcast_in_dim3A_26 : vector<16xf32> to vector<1x16xf32>
      tpu.vector_store %arg11[%swap3A, %swap3A_27], %swap3A_30 {strides = array<i32>} : memref<80x144xf32, #tpu.memory_space<vmem>>, vector<1x16xf32>,
      %broadcast_in_dim3A_31 = arith.constant 0.000000e+00 : f32
      %broadcast_in_dim3A_32 = vector.broadcast %broadcast_in_dim3A_31 : f32 to vector<16xf32>
      %swap3A_33 = arith.index_cast %scan3A_25 : i32 to index
      %swap3A_34 = arith.constant 16 : index
      %swap3A_35 = tpu.vector_load %arg11[%swap3A_33, %swap3A_34] {strides = array<i32>} : memref<80x144xf32, #tpu.memory_space<vmem>>, vector<1x16xf32>,
      %swap3A_36 = vector.shape_cast %swap3A_35 : vector<1x16xf32> to vector<16xf32>
      %swap3A_37 = vector.shape_cast %broadcast_in_dim3A_32 : vector<16xf32> to vector<1x16xf32>
      tpu.vector_store %arg11[%swap3A_33, %swap3A_34], %swap3A_37 {strides = array<i32>} : memref<80x144xf32, #tpu.memory_space<vmem>>, vector<1x16xf32>,
      %broadcast_in_dim3A_38 = arith.constant 0.000000e+00 : f32
      %broadcast_in_dim3A_39 = vector.broadcast %broadcast_in_dim3A_38 : f32 to vector<16xf32>
      %swap3A_40 = arith.index_cast %scan3A_25 : i32 to index
      %swap3A_41 = arith.constant 32 : index
      %swap3A_42 = tpu.vector_load %arg11[%swap3A_40, %swap3A_41] {strides = array<i32>} : memref<80x144xf32, #tpu.memory_space<vmem>>, vector<1x16xf32>,
      %swap3A_43 = vector.shape_cast %swap3A_42 : vector<1x16xf32> to vector<16xf32>
      %swap3A_44 = vector.shape_cast %broadcast_in_dim3A_39 : vector<16xf32> to vector<1x16xf32>
      tpu.vector_store %arg11[%swap3A_40, %swap3A_41], %swap3A_44 {strides = array<i32>} : memref<80x144xf32, #tpu.memory_space<vmem>>, vector<1x16xf32>,
      %broadcast_in_dim3A_45 = arith.constant 0.000000e+00 : f32
      %broadcast_in_dim3A_46 = vector.broadcast %broadcast_in_dim3A_45 : f32 to vector<16xf32>
      %swap3A_47 = arith.index_cast %scan3A_25 : i32 to index
      %swap3A_48 = arith.constant 48 : index
      %swap3A_49 = tpu.vector_load %arg11[%swap3A_47, %swap3A_48] {strides = array<i32>} : memref<80x144xf32, #tpu.memory_space<vmem>>, vector<1x16xf32>,
      %swap3A_50 = vector.shape_cast %swap3A_49 : vector<1x16xf32> to vector<16xf32>
      %swap3A_51 = vector.shape_cast %broadcast_in_dim3A_46 : vector<16xf32> to vector<1x16xf32>
      tpu.vector_store %arg11[%swap3A_47, %swap3A_48], %swap3A_51 {strides = array<i32>} : memref<80x144xf32, #tpu.memory_space<vmem>>, vector<1x16xf32>,
      %broadcast_in_dim3A_52 = arith.constant 0.000000e+00 : f32
      %broadcast_in_dim3A_53 = vector.broadcast %broadcast_in_dim3A_52 : f32 to vector<16xf32>
      %swap3A_54 = arith.index_cast %scan3A_25 : i32 to index
      %swap3A_55 = arith.constant 64 : index
      %swap3A_56 = tpu.vector_load %arg11[%swap3A_54, %swap3A_55] {strides = array<i32>} : memref<80x144xf32, #tpu.memory_space<vmem>>, vector<1x16xf32>,
      %swap3A_57 = vector.shape_cast %swap3A_56 : vector<1x16xf32> to vector<16xf32>
      %swap3A_58 = vector.shape_cast %broadcast_in_dim3A_53 : vector<16xf32> to vector<1x16xf32>
      tpu.vector_store %arg11[%swap3A_54, %swap3A_55], %swap3A_58 {strides = array<i32>} : memref<80x144xf32, #tpu.memory_space<vmem>>, vector<1x16xf32>,
      %broadcast_in_dim3A_59 = arith.constant 0.000000e+00 : f32
      %broadcast_in_dim3A_60 = vector.broadcast %broadcast_in_dim3A_59 : f32 to vector<16xf32>
      %swap3A_61 = arith.index_cast %scan3A_25 : i32 to index
      %swap3A_62 = arith.constant 80 : index
      %swap3A_63 = tpu.vector_load %arg11[%swap3A_61, %swap3A_62] {strides = array<i32>} : memref<80x144xf32, #tpu.memory_space<vmem>>, vector<1x16xf32>,
      %swap3A_64 = vector.shape_cast %swap3A_63 : vector<1x16xf32> to vector<16xf32>
      %swap3A_65 = vector.shape_cast %broadcast_in_dim3A_60 : vector<16xf32> to vector<1x16xf32>
      tpu.vector_store %arg11[%swap3A_61, %swap3A_62], %swap3A_65 {strides = array<i32>} : memref<80x144xf32, #tpu.memory_space<vmem>>, vector<1x16xf32>,
      %broadcast_in_dim3A_66 = arith.constant 0.000000e+00 : f32
      %broadcast_in_dim3A_67 = vector.broadcast %broadcast_in_dim3A_66 : f32 to vector<16xf32>
      %swap3A_68 = arith.index_cast %scan3A_25 : i32 to index
      %swap3A_69 = arith.constant 96 : index
      %swap3A_70 = tpu.vector_load %arg11[%swap3A_68, %swap3A_69] {strides = array<i32>} : memref<80x144xf32, #tpu.memory_space<vmem>>, vector<1x16xf32>,
      %swap3A_71 = vector.shape_cast %swap3A_70 : vector<1x16xf32> to vector<16xf32>
      %swap3A_72 = vector.shape_cast %broadcast_in_dim3A_67 : vector<16xf32> to vector<1x16xf32>
      tpu.vector_store %arg11[%swap3A_68, %swap3A_69], %swap3A_72 {strides = array<i32>} : memref<80x144xf32, #tpu.memory_space<vmem>>, vector<1x16xf32>,
      %broadcast_in_dim3A_73 = arith.constant 0.000000e+00 : f32
      %broadcast_in_dim3A_74 = vector.broadcast %broadcast_in_dim3A_73 : f32 to vector<16xf32>
      %swap3A_75 = arith.index_cast %scan3A_25 : i32 to index
      %swap3A_76 = arith.constant 112 : index
      %swap3A_77 = tpu.vector_load %arg11[%swap3A_75, %swap3A_76] {strides = array<i32>} : memref<80x144xf32, #tpu.memory_space<vmem>>, vector<1x16xf32>,
      %swap3A_78 = vector.shape_cast %swap3A_77 : vector<1x16xf32> to vector<16xf32>
      %swap3A_79 = vector.shape_cast %broadcast_in_dim3A_74 : vector<16xf32> to vector<1x16xf32>
      tpu.vector_store %arg11[%swap3A_75, %swap3A_76], %swap3A_79 {strides = array<i32>} : memref<80x144xf32, #tpu.memory_space<vmem>>, vector<1x16xf32>,
      %broadcast_in_dim3A_80 = arith.constant 0.000000e+00 : f32
      %broadcast_in_dim3A_81 = vector.broadcast %broadcast_in_dim3A_80 : f32 to vector<16xf32>
      %swap3A_82 = arith.index_cast %scan3A_25 : i32 to index
      %swap3A_83 = arith.constant 128 : index
      %swap3A_84 = tpu.vector_load %arg11[%swap3A_82, %swap3A_83] {strides = array<i32>} : memref<80x144xf32, #tpu.memory_space<vmem>>, vector<1x16xf32>,
      %swap3A_85 = vector.shape_cast %swap3A_84 : vector<1x16xf32> to vector<16xf32>
      %swap3A_86 = vector.shape_cast %broadcast_in_dim3A_81 : vector<16xf32> to vector<1x16xf32>
      tpu.vector_store %arg11[%swap3A_82, %swap3A_83], %swap3A_86 {strides = array<i32>} : memref<80x144xf32, #tpu.memory_space<vmem>>, vector<1x16xf32>,
    }
    %scan3A_5 = arith.constant 80 : i32
    %scan3A_6 = arith.constant 0 : i32
    %scan3A_7 = arith.constant 0 : i32
    %scan3A_8 = arith.constant 8 : i32
    %scan3A_9 = arith.addi %scan3A_7, %scan3A_8 : i32
    %scan3A_10 = arith.constant 1 : i32
    scf.for %scan3A_25 = %scan3A_7 to %scan3A_9 step %scan3A_10  : i32 {
      %mul3A_26 = arith.constant 640 : i32
      %mul3A_27 = arith.muli %arg1, %mul3A_26 : i32
      %mul3A_28 = arith.constant 80 : i32
      %mul3A_29 = arith.muli %scan3A_25, %mul3A_28 : i32
      %add3A_30 = arith.addi %mul3A_27, %mul3A_29 : i32
      "tpu.region"() ({
        %run_scoped3A = tpu.sem_alloc : memref<!tpu.dma_semaphore, #tpu.memory_space<semaphore_mem>>
        %dma_start3A = arith.constant 0 : i32
        %dma_start3A_31 = tpu.memref_slice %arg12[%add3A_30, %dma_start3A] : memref<10240x144xf32, #tpu.memory_space<vmem_shared>> -> memref<80x144xf32, #tpu.memory_space<vmem_shared>>
        %dma_start3A_32 = arith.constant 0 : i32
        %dma_start3A_33 = tpu.memref_slice %arg12[%add3A_30, %dma_start3A_32] : memref<10240x144xf32, #tpu.memory_space<vmem_shared>> -> memref<80x144xf32, #tpu.memory_space<vmem_shared>>
        tpu.enqueue_dma source(%arg11 : memref<80x144xf32, #tpu.memory_space<vmem>>) target(%dma_start3A_33 : memref<80x144xf32, #tpu.memory_space<vmem_shared>>) target_semaphore(%run_scoped3A : memref<!tpu.dma_semaphore, #tpu.memory_space<semaphore_mem>>)
        %dma_wait3A = arith.constant 0 : i32
        %dma_wait3A_34 = tpu.memref_slice %arg12[%add3A_30, %dma_wait3A] : memref<10240x144xf32, #tpu.memory_space<vmem_shared>> -> memref<80x144xf32, #tpu.memory_space<vmem_shared>>
        %dma_wait3A_35 = arith.constant 0 : i32
        %dma_wait3A_36 = tpu.memref_slice %arg12[%add3A_30, %dma_wait3A_35] : memref<10240x144xf32, #tpu.memory_space<vmem_shared>> -> memref<80x144xf32, #tpu.memory_space<vmem_shared>>
        tpu.wait_dma2 semaphore(%run_scoped3A : memref<!tpu.dma_semaphore, #tpu.memory_space<semaphore_mem>>) src(%arg11 : memref<80x144xf32, #tpu.memory_space<vmem>>) dst(%dma_wait3A_36 : memref<80x144xf32, #tpu.memory_space<vmem_shared>>)
        tpu.yield
      }) : () -> ()
    }
    %scan3A_11 = arith.constant 8 : i32
    %barrier3A = arith.constant 0 : index
    tpu.barrier barrier_id(%barrier3A)
    %scan3A_12 = arith.constant 0 : i32
    %scan3A_13 = arith.constant 0 : i32
    %scan3A_14 = arith.constant 25 : i32
    %scan3A_15 = arith.addi %scan3A_13, %scan3A_14 : i32
    %scan3A_16 = arith.constant 1 : i32
    scf.for %scan3A_25 = %scan3A_13 to %scan3A_15 step %scan3A_16  : i32 {
      %mul3A_26 = arith.constant 5 : i32
      %mul3A_27 = arith.muli %scan3A_25, %mul3A_26 : i32
      %dma_start3A = arith.constant 0 : i32
      %dma_start3A_28 = tpu.memref_slice %arg4[%add3A, %mul3A_27, %dma_start3A] : memref<32x125x80xi32, #tpu.memory_space<hbm>> -> memref<1x5x80xi32, #tpu.memory_space<hbm>>
      %dma_start3A_29 = tpu.memref_squeeze %dma_start3A_28 : memref<1x5x80xi32, #tpu.memory_space<hbm>> -> memref<5x80xi32, #tpu.memory_space<hbm>>
      %dma_start3A_30 = arith.constant 0 : i32
      %dma_start3A_31 = tpu.memref_slice %arg4[%add3A, %mul3A_27, %dma_start3A_30] : memref<32x125x80xi32, #tpu.memory_space<hbm>> -> memref<1x5x80xi32, #tpu.memory_space<hbm>>
      %dma_start3A_32 = tpu.memref_squeeze %dma_start3A_31 : memref<1x5x80xi32, #tpu.memory_space<hbm>> -> memref<5x80xi32, #tpu.memory_space<hbm>>
      tpu.enqueue_dma source(%dma_start3A_32 : memref<5x80xi32, #tpu.memory_space<hbm>>) target(%arg7 : memref<5x80xi32, #tpu.memory_space<vmem>>) target_semaphore(%arg13 : memref<!tpu.dma_semaphore, #tpu.memory_space<semaphore_mem>>)
      %mul3A_33 = arith.constant 5 : i32
      %mul3A_34 = arith.muli %scan3A_25, %mul3A_33 : i32
      %dma_start3A_35 = arith.constant 0 : i32
      %dma_start3A_36 = tpu.memref_slice %arg5[%add3A, %mul3A_34, %dma_start3A_35] : memref<32x125x80xi32, #tpu.memory_space<hbm>> -> memref<1x5x80xi32, #tpu.memory_space<hbm>>
      %dma_start3A_37 = tpu.memref_squeeze %dma_start3A_36 : memref<1x5x80xi32, #tpu.memory_space<hbm>> -> memref<5x80xi32, #tpu.memory_space<hbm>>
      %dma_start3A_38 = arith.constant 0 : i32
      %dma_start3A_39 = tpu.memref_slice %arg5[%add3A, %mul3A_34, %dma_start3A_38] : memref<32x125x80xi32, #tpu.memory_space<hbm>> -> memref<1x5x80xi32, #tpu.memory_space<hbm>>
      %dma_start3A_40 = tpu.memref_squeeze %dma_start3A_39 : memref<1x5x80xi32, #tpu.memory_space<hbm>> -> memref<5x80xi32, #tpu.memory_space<hbm>>
      tpu.enqueue_dma source(%dma_start3A_40 : memref<5x80xi32, #tpu.memory_space<hbm>>) target(%arg8 : memref<5x80xi32, #tpu.memory_space<vmem>>) target_semaphore(%arg14 : memref<!tpu.dma_semaphore, #tpu.memory_space<semaphore_mem>>)
      %dma_wait3A = arith.constant 0 : i32
      %dma_wait3A_41 = tpu.memref_slice %arg4[%add3A, %mul3A_27, %dma_wait3A] : memref<32x125x80xi32, #tpu.memory_space<hbm>> -> memref<1x5x80xi32, #tpu.memory_space<hbm>>
      %dma_wait3A_42 = tpu.memref_squeeze %dma_wait3A_41 : memref<1x5x80xi32, #tpu.memory_space<hbm>> -> memref<5x80xi32, #tpu.memory_space<hbm>>
      %dma_wait3A_43 = arith.constant 0 : i32
      %dma_wait3A_44 = tpu.memref_slice %arg4[%add3A, %mul3A_27, %dma_wait3A_43] : memref<32x125x80xi32, #tpu.memory_space<hbm>> -> memref<1x5x80xi32, #tpu.memory_space<hbm>>
      %dma_wait3A_45 = tpu.memref_squeeze %dma_wait3A_44 : memref<1x5x80xi32, #tpu.memory_space<hbm>> -> memref<5x80xi32, #tpu.memory_space<hbm>>
      tpu.wait_dma2 semaphore(%arg13 : memref<!tpu.dma_semaphore, #tpu.memory_space<semaphore_mem>>) src(%dma_wait3A_45 : memref<5x80xi32, #tpu.memory_space<hbm>>) dst(%arg7 : memref<5x80xi32, #tpu.memory_space<vmem>>)
      %dma_wait3A_46 = arith.constant 0 : i32
      %dma_wait3A_47 = tpu.memref_slice %arg5[%add3A, %mul3A_34, %dma_wait3A_46] : memref<32x125x80xi32, #tpu.memory_space<hbm>> -> memref<1x5x80xi32, #tpu.memory_space<hbm>>
      %dma_wait3A_48 = tpu.memref_squeeze %dma_wait3A_47 : memref<1x5x80xi32, #tpu.memory_space<hbm>> -> memref<5x80xi32, #tpu.memory_space<hbm>>
      %dma_wait3A_49 = arith.constant 0 : i32
      %dma_wait3A_50 = tpu.memref_slice %arg5[%add3A, %mul3A_34, %dma_wait3A_49] : memref<32x125x80xi32, #tpu.memory_space<hbm>> -> memref<1x5x80xi32, #tpu.memory_space<hbm>>
      %dma_wait3A_51 = tpu.memref_squeeze %dma_wait3A_50 : memref<1x5x80xi32, #tpu.memory_space<hbm>> -> memref<5x80xi32, #tpu.memory_space<hbm>>
      tpu.wait_dma2 semaphore(%arg14 : memref<!tpu.dma_semaphore, #tpu.memory_space<semaphore_mem>>) src(%dma_wait3A_51 : memref<5x80xi32, #tpu.memory_space<hbm>>) dst(%arg8 : memref<5x80xi32, #tpu.memory_space<vmem>>)
      %scan3A_52 = arith.constant 0 : i32
      %scan3A_53 = arith.constant 0 : i32
      %scan3A_54 = arith.constant 5 : i32
      %scan3A_55 = arith.addi %scan3A_53, %scan3A_54 : i32
      %scan3A_56 = arith.constant 1 : i32
      scf.for %scan3A_58 = %scan3A_53 to %scan3A_55 step %scan3A_56  : i32 {
        %dma_start3A_59 = arith.constant 0 : i32
        %dma_start3A_60 = tpu.memref_slice %arg7[%scan3A_58, %dma_start3A_59] : memref<5x80xi32, #tpu.memory_space<vmem>> -> memref<1x80xi32, #tpu.memory_space<vmem>>
        %dma_start3A_61 = tpu.memref_squeeze %dma_start3A_60 : memref<1x80xi32, #tpu.memory_space<vmem>> -> memref<80xi32, #tpu.memory_space<vmem>>
        %dma_start3A_62 = arith.constant 0 : i32
        %dma_start3A_63 = arith.constant 0 : i32
        %dma_start3A_64 = tpu.memref_slice %arg2[%dma_start3A_62, %dma_start3A_63] : memref<10000x144xf32, #tpu.memory_space<hbm>> -> memref<10000x144xf32, #tpu.memory_space<hbm>>
        tpu.enqueue_indirect_dma source(%dma_start3A_64 : memref<10000x144xf32, #tpu.memory_space<hbm>>) target(%arg9 : memref<80x144xf32, #tpu.memory_space<vmem>>) offsets(%dma_start3A_61 : memref<80xi32, #tpu.memory_space<vmem>>) semaphore(%arg13 : memref<!tpu.dma_semaphore, #tpu.memory_space<semaphore_mem>>)
        %dma_start3A_65 = arith.constant 0 : i32
        %dma_start3A_66 = tpu.memref_slice %arg8[%scan3A_58, %dma_start3A_65] : memref<5x80xi32, #tpu.memory_space<vmem>> -> memref<1x80xi32, #tpu.memory_space<vmem>>
        %dma_start3A_67 = tpu.memref_squeeze %dma_start3A_66 : memref<1x80xi32, #tpu.memory_space<vmem>> -> memref<80xi32, #tpu.memory_space<vmem>>
        %dma_start3A_68 = arith.constant 0 : i32
        %dma_start3A_69 = arith.constant 0 : i32
        %dma_start3A_70 = tpu.memref_slice %arg3[%dma_start3A_68, %dma_start3A_69] : memref<10000x16xf32, #tpu.memory_space<hbm>> -> memref<10000x16xf32, #tpu.memory_space<hbm>>
        tpu.enqueue_indirect_dma source(%dma_start3A_70 : memref<10000x16xf32, #tpu.memory_space<hbm>>) target(%arg10 : memref<80x16xf32, #tpu.memory_space<vmem>>) offsets(%dma_start3A_67 : memref<80xi32, #tpu.memory_space<vmem>>) semaphore(%arg14 : memref<!tpu.dma_semaphore, #tpu.memory_space<semaphore_mem>>)
        %dma_wait3A_71 = arith.constant 0 : i32
        %dma_wait3A_72 = tpu.memref_slice %arg7[%scan3A_58, %dma_wait3A_71] : memref<5x80xi32, #tpu.memory_space<vmem>> -> memref<1x80xi32, #tpu.memory_space<vmem>>
        %dma_wait3A_73 = tpu.memref_squeeze %dma_wait3A_72 : memref<1x80xi32, #tpu.memory_space<vmem>> -> memref<80xi32, #tpu.memory_space<vmem>>
        %dma_wait3A_74 = arith.constant 0 : i32
        %dma_wait3A_75 = arith.constant 0 : i32
        %dma_wait3A_76 = tpu.memref_slice %arg2[%dma_wait3A_74, %dma_wait3A_75] : memref<10000x144xf32, #tpu.memory_space<hbm>> -> memref<10000x144xf32, #tpu.memory_space<hbm>>
        tpu.wait_indirect_dma semaphore(%arg13 : memref<!tpu.dma_semaphore, #tpu.memory_space<semaphore_mem>>) src(%dma_wait3A_76 : memref<10000x144xf32, #tpu.memory_space<hbm>>) dst(%arg9 : memref<80x144xf32, #tpu.memory_space<vmem>>)
        %dma_wait3A_77 = arith.constant 0 : i32
        %dma_wait3A_78 = tpu.memref_slice %arg8[%scan3A_58, %dma_wait3A_77] : memref<5x80xi32, #tpu.memory_space<vmem>> -> memref<1x80xi32, #tpu.memory_space<vmem>>
        %dma_wait3A_79 = tpu.memref_squeeze %dma_wait3A_78 : memref<1x80xi32, #tpu.memory_space<vmem>> -> memref<80xi32, #tpu.memory_space<vmem>>
        %dma_wait3A_80 = arith.constant 0 : i32
        %dma_wait3A_81 = arith.constant 0 : i32
        %dma_wait3A_82 = tpu.memref_slice %arg3[%dma_wait3A_80, %dma_wait3A_81] : memref<10000x16xf32, #tpu.memory_space<hbm>> -> memref<10000x16xf32, #tpu.memory_space<hbm>>
        tpu.wait_indirect_dma semaphore(%arg14 : memref<!tpu.dma_semaphore, #tpu.memory_space<semaphore_mem>>) src(%dma_wait3A_82 : memref<10000x16xf32, #tpu.memory_space<hbm>>) dst(%arg10 : memref<80x16xf32, #tpu.memory_space<vmem>>)
        %scan3A_83 = arith.constant 0 : i32
        %scan3A_84 = arith.constant 0 : i32
        %scan3A_85 = arith.constant 80 : i32
        %scan3A_86 = arith.addi %scan3A_84, %scan3A_85 : i32
        %scan3A_87 = arith.constant 1 : i32
        scf.for %scan3A_89 = %scan3A_84 to %scan3A_86 step %scan3A_87  : i32 {
          %get3A = arith.index_cast %scan3A_89 : i32 to index
          %get3A_90 = arith.constant 0 : index
          %get3A_91 = tpu.vector_load %arg10[%get3A, %get3A_90] {strides = array<i32>} : memref<80x16xf32, #tpu.memory_space<vmem>>, vector<1x16xf32>,
          %get3A_92 = vector.shape_cast %get3A_91 : vector<1x16xf32> to vector<16xf32>
          %get3A_93 = arith.index_cast %scan3A_89 : i32 to index
          %get3A_94 = arith.constant 128 : index
          %get3A_95 = tpu.vector_load %arg9[%get3A_93, %get3A_94] {strides = array<i32>} : memref<80x144xf32, #tpu.memory_space<vmem>>, vector<1x16xf32>,
          %get3A_96 = vector.shape_cast %get3A_95 : vector<1x16xf32> to vector<16xf32>
          %add3A_97 = arith.addf %get3A_96, %get3A_92 : vector<16xf32>
          %ge3A = arith.constant 0.000000e+00 : f32
          %ge3A_98 = vector.broadcast %ge3A : f32 to vector<16xf32>
          %ge3A_99 = arith.cmpf oge, %add3A_97, %ge3A_98 : vector<16xf32>
          %mul3A_100 = arith.constant 2.000000e-01 : f32
          %mul3A_101 = vector.broadcast %mul3A_100 : f32 to vector<16xf32>
          %mul3A_102 = arith.mulf %mul3A_101, %add3A_97 : vector<16xf32>
          %select_n3A = arith.select %ge3A_99, %add3A_97, %mul3A_102 : vector<16xi1>, vector<16xf32>
          %exp3A = math.exp %select_n3A : vector<16xf32>
          %slice3A = vector.extract_strided_slice %exp3A {offsets = [0], sizes = [1], strides = [1]} : vector<16xf32> to vector<1xf32>
          %squeeze3A = vector.extract %slice3A[0] : f32 from vector<1xf32>
          %broadcast_in_dim3A = vector.broadcast %squeeze3A : f32 to vector<16xf32>
          %get3A_103 = arith.index_cast %scan3A_89 : i32 to index
          %get3A_104 = arith.constant 0 : index
          %get3A_105 = tpu.vector_load %arg9[%get3A_103, %get3A_104] {strides = array<i32>} : memref<80x144xf32, #tpu.memory_space<vmem>>, vector<1x16xf32>,
          %get3A_106 = vector.shape_cast %get3A_105 : vector<1x16xf32> to vector<16xf32>
          %mul3A_107 = arith.mulf %get3A_106, %broadcast_in_dim3A : vector<16xf32>
          %swap3A = arith.index_cast %scan3A_89 : i32 to index
          %swap3A_108 = arith.constant 0 : index
          %swap3A_109 = tpu.vector_load %arg11[%swap3A, %swap3A_108] {strides = array<i32>} : memref<80x144xf32, #tpu.memory_space<vmem>>, vector<1x16xf32>,
          %swap3A_110 = vector.shape_cast %swap3A_109 : vector<1x16xf32> to vector<16xf32>
          %swap3A_111 = vector.shape_cast %mul3A_107 : vector<16xf32> to vector<1x16xf32>
          tpu.vector_store %arg11[%swap3A, %swap3A_108], %swap3A_111 {strides = array<i32>} : memref<80x144xf32, #tpu.memory_space<vmem>>, vector<1x16xf32>,
          %slice3A_112 = vector.extract_strided_slice %exp3A {offsets = [1], sizes = [1], strides = [1]} : vector<16xf32> to vector<1xf32>
          %squeeze3A_113 = vector.extract %slice3A_112[0] : f32 from vector<1xf32>
          %broadcast_in_dim3A_114 = vector.broadcast %squeeze3A_113 : f32 to vector<16xf32>
          %get3A_115 = arith.index_cast %scan3A_89 : i32 to index
          %get3A_116 = arith.constant 16 : index
          %get3A_117 = tpu.vector_load %arg9[%get3A_115, %get3A_116] {strides = array<i32>} : memref<80x144xf32, #tpu.memory_space<vmem>>, vector<1x16xf32>,
          %get3A_118 = vector.shape_cast %get3A_117 : vector<1x16xf32> to vector<16xf32>
          %mul3A_119 = arith.mulf %get3A_118, %broadcast_in_dim3A_114 : vector<16xf32>
          %swap3A_120 = arith.index_cast %scan3A_89 : i32 to index
          %swap3A_121 = arith.constant 16 : index
          %swap3A_122 = tpu.vector_load %arg11[%swap3A_120, %swap3A_121] {strides = array<i32>} : memref<80x144xf32, #tpu.memory_space<vmem>>, vector<1x16xf32>,
          %swap3A_123 = vector.shape_cast %swap3A_122 : vector<1x16xf32> to vector<16xf32>
          %swap3A_124 = vector.shape_cast %mul3A_119 : vector<16xf32> to vector<1x16xf32>
          tpu.vector_store %arg11[%swap3A_120, %swap3A_121], %swap3A_124 {strides = array<i32>} : memref<80x144xf32, #tpu.memory_space<vmem>>, vector<1x16xf32>,
          %slice3A_125 = vector.extract_strided_slice %exp3A {offsets = [2], sizes = [1], strides = [1]} : vector<16xf32> to vector<1xf32>
          %squeeze3A_126 = vector.extract %slice3A_125[0] : f32 from vector<1xf32>
          %broadcast_in_dim3A_127 = vector.broadcast %squeeze3A_126 : f32 to vector<16xf32>
          %get3A_128 = arith.index_cast %scan3A_89 : i32 to index
          %get3A_129 = arith.constant 32 : index
          %get3A_130 = tpu.vector_load %arg9[%get3A_128, %get3A_129] {strides = array<i32>} : memref<80x144xf32, #tpu.memory_space<vmem>>, vector<1x16xf32>,
          %get3A_131 = vector.shape_cast %get3A_130 : vector<1x16xf32> to vector<16xf32>
          %mul3A_132 = arith.mulf %get3A_131, %broadcast_in_dim3A_127 : vector<16xf32>
          %swap3A_133 = arith.index_cast %scan3A_89 : i32 to index
          %swap3A_134 = arith.constant 32 : index
          %swap3A_135 = tpu.vector_load %arg11[%swap3A_133, %swap3A_134] {strides = array<i32>} : memref<80x144xf32, #tpu.memory_space<vmem>>, vector<1x16xf32>,
          %swap3A_136 = vector.shape_cast %swap3A_135 : vector<1x16xf32> to vector<16xf32>
          %swap3A_137 = vector.shape_cast %mul3A_132 : vector<16xf32> to vector<1x16xf32>
          tpu.vector_store %arg11[%swap3A_133, %swap3A_134], %swap3A_137 {strides = array<i32>} : memref<80x144xf32, #tpu.memory_space<vmem>>, vector<1x16xf32>,
          %slice3A_138 = vector.extract_strided_slice %exp3A {offsets = [3], sizes = [1], strides = [1]} : vector<16xf32> to vector<1xf32>
          %squeeze3A_139 = vector.extract %slice3A_138[0] : f32 from vector<1xf32>
          %broadcast_in_dim3A_140 = vector.broadcast %squeeze3A_139 : f32 to vector<16xf32>
          %get3A_141 = arith.index_cast %scan3A_89 : i32 to index
          %get3A_142 = arith.constant 48 : index
          %get3A_143 = tpu.vector_load %arg9[%get3A_141, %get3A_142] {strides = array<i32>} : memref<80x144xf32, #tpu.memory_space<vmem>>, vector<1x16xf32>,
          %get3A_144 = vector.shape_cast %get3A_143 : vector<1x16xf32> to vector<16xf32>
          %mul3A_145 = arith.mulf %get3A_144, %broadcast_in_dim3A_140 : vector<16xf32>
          %swap3A_146 = arith.index_cast %scan3A_89 : i32 to index
          %swap3A_147 = arith.constant 48 : index
          %swap3A_148 = tpu.vector_load %arg11[%swap3A_146, %swap3A_147] {strides = array<i32>} : memref<80x144xf32, #tpu.memory_space<vmem>>, vector<1x16xf32>,
          %swap3A_149 = vector.shape_cast %swap3A_148 : vector<1x16xf32> to vector<16xf32>
          %swap3A_150 = vector.shape_cast %mul3A_145 : vector<16xf32> to vector<1x16xf32>
          tpu.vector_store %arg11[%swap3A_146, %swap3A_147], %swap3A_150 {strides = array<i32>} : memref<80x144xf32, #tpu.memory_space<vmem>>, vector<1x16xf32>,
          %slice3A_151 = vector.extract_strided_slice %exp3A {offsets = [4], sizes = [1], strides = [1]} : vector<16xf32> to vector<1xf32>
          %squeeze3A_152 = vector.extract %slice3A_151[0] : f32 from vector<1xf32>
          %broadcast_in_dim3A_153 = vector.broadcast %squeeze3A_152 : f32 to vector<16xf32>
          %get3A_154 = arith.index_cast %scan3A_89 : i32 to index
          %get3A_155 = arith.constant 64 : index
          %get3A_156 = tpu.vector_load %arg9[%get3A_154, %get3A_155] {strides = array<i32>} : memref<80x144xf32, #tpu.memory_space<vmem>>, vector<1x16xf32>,
          %get3A_157 = vector.shape_cast %get3A_156 : vector<1x16xf32> to vector<16xf32>
          %mul3A_158 = arith.mulf %get3A_157, %broadcast_in_dim3A_153 : vector<16xf32>
          %swap3A_159 = arith.index_cast %scan3A_89 : i32 to index
          %swap3A_160 = arith.constant 64 : index
          %swap3A_161 = tpu.vector_load %arg11[%swap3A_159, %swap3A_160] {strides = array<i32>} : memref<80x144xf32, #tpu.memory_space<vmem>>, vector<1x16xf32>,
          %swap3A_162 = vector.shape_cast %swap3A_161 : vector<1x16xf32> to vector<16xf32>
          %swap3A_163 = vector.shape_cast %mul3A_158 : vector<16xf32> to vector<1x16xf32>
          tpu.vector_store %arg11[%swap3A_159, %swap3A_160], %swap3A_163 {strides = array<i32>} : memref<80x144xf32, #tpu.memory_space<vmem>>, vector<1x16xf32>,
          %slice3A_164 = vector.extract_strided_slice %exp3A {offsets = [5], sizes = [1], strides = [1]} : vector<16xf32> to vector<1xf32>
          %squeeze3A_165 = vector.extract %slice3A_164[0] : f32 from vector<1xf32>
          %broadcast_in_dim3A_166 = vector.broadcast %squeeze3A_165 : f32 to vector<16xf32>
          %get3A_167 = arith.index_cast %scan3A_89 : i32 to index
          %get3A_168 = arith.constant 80 : index
          %get3A_169 = tpu.vector_load %arg9[%get3A_167, %get3A_168] {strides = array<i32>} : memref<80x144xf32, #tpu.memory_space<vmem>>, vector<1x16xf32>,
          %get3A_170 = vector.shape_cast %get3A_169 : vector<1x16xf32> to vector<16xf32>
          %mul3A_171 = arith.mulf %get3A_170, %broadcast_in_dim3A_166 : vector<16xf32>
          %swap3A_172 = arith.index_cast %scan3A_89 : i32 to index
          %swap3A_173 = arith.constant 80 : index
          %swap3A_174 = tpu.vector_load %arg11[%swap3A_172, %swap3A_173] {strides = array<i32>} : memref<80x144xf32, #tpu.memory_space<vmem>>, vector<1x16xf32>,
          %swap3A_175 = vector.shape_cast %swap3A_174 : vector<1x16xf32> to vector<16xf32>
          %swap3A_176 = vector.shape_cast %mul3A_171 : vector<16xf32> to vector<1x16xf32>
          tpu.vector_store %arg11[%swap3A_172, %swap3A_173], %swap3A_176 {strides = array<i32>} : memref<80x144xf32, #tpu.memory_space<vmem>>, vector<1x16xf32>,
          %slice3A_177 = vector.extract_strided_slice %exp3A {offsets = [6], sizes = [1], strides = [1]} : vector<16xf32> to vector<1xf32>
          %squeeze3A_178 = vector.extract %slice3A_177[0] : f32 from vector<1xf32>
          %broadcast_in_dim3A_179 = vector.broadcast %squeeze3A_178 : f32 to vector<16xf32>
          %get3A_180 = arith.index_cast %scan3A_89 : i32 to index
          %get3A_181 = arith.constant 96 : index
          %get3A_182 = tpu.vector_load %arg9[%get3A_180, %get3A_181] {strides = array<i32>} : memref<80x144xf32, #tpu.memory_space<vmem>>, vector<1x16xf32>,
          %get3A_183 = vector.shape_cast %get3A_182 : vector<1x16xf32> to vector<16xf32>
          %mul3A_184 = arith.mulf %get3A_183, %broadcast_in_dim3A_179 : vector<16xf32>
          %swap3A_185 = arith.index_cast %scan3A_89 : i32 to index
          %swap3A_186 = arith.constant 96 : index
          %swap3A_187 = tpu.vector_load %arg11[%swap3A_185, %swap3A_186] {strides = array<i32>} : memref<80x144xf32, #tpu.memory_space<vmem>>, vector<1x16xf32>,
          %swap3A_188 = vector.shape_cast %swap3A_187 : vector<1x16xf32> to vector<16xf32>
          %swap3A_189 = vector.shape_cast %mul3A_184 : vector<16xf32> to vector<1x16xf32>
          tpu.vector_store %arg11[%swap3A_185, %swap3A_186], %swap3A_189 {strides = array<i32>} : memref<80x144xf32, #tpu.memory_space<vmem>>, vector<1x16xf32>,
          %slice3A_190 = vector.extract_strided_slice %exp3A {offsets = [7], sizes = [1], strides = [1]} : vector<16xf32> to vector<1xf32>
          %squeeze3A_191 = vector.extract %slice3A_190[0] : f32 from vector<1xf32>
          %broadcast_in_dim3A_192 = vector.broadcast %squeeze3A_191 : f32 to vector<16xf32>
          %get3A_193 = arith.index_cast %scan3A_89 : i32 to index
          %get3A_194 = arith.constant 112 : index
          %get3A_195 = tpu.vector_load %arg9[%get3A_193, %get3A_194] {strides = array<i32>} : memref<80x144xf32, #tpu.memory_space<vmem>>, vector<1x16xf32>,
          %get3A_196 = vector.shape_cast %get3A_195 : vector<1x16xf32> to vector<16xf32>
          %mul3A_197 = arith.mulf %get3A_196, %broadcast_in_dim3A_192 : vector<16xf32>
          %swap3A_198 = arith.index_cast %scan3A_89 : i32 to index
          %swap3A_199 = arith.constant 112 : index
          %swap3A_200 = tpu.vector_load %arg11[%swap3A_198, %swap3A_199] {strides = array<i32>} : memref<80x144xf32, #tpu.memory_space<vmem>>, vector<1x16xf32>,
          %swap3A_201 = vector.shape_cast %swap3A_200 : vector<1x16xf32> to vector<16xf32>
          %swap3A_202 = vector.shape_cast %mul3A_197 : vector<16xf32> to vector<1x16xf32>
          tpu.vector_store %arg11[%swap3A_198, %swap3A_199], %swap3A_202 {strides = array<i32>} : memref<80x144xf32, #tpu.memory_space<vmem>>, vector<1x16xf32>,
          %swap3A_203 = arith.index_cast %scan3A_89 : i32 to index
          %swap3A_204 = arith.constant 128 : index
          %swap3A_205 = tpu.vector_load %arg11[%swap3A_203, %swap3A_204] {strides = array<i32>} : memref<80x144xf32, #tpu.memory_space<vmem>>, vector<1x16xf32>,
          %swap3A_206 = vector.shape_cast %swap3A_205 : vector<1x16xf32> to vector<16xf32>
          %swap3A_207 = vector.shape_cast %exp3A : vector<16xf32> to vector<1x16xf32>
          tpu.vector_store %arg11[%swap3A_203, %swap3A_204], %swap3A_207 {strides = array<i32>} : memref<80x144xf32, #tpu.memory_space<vmem>>, vector<1x16xf32>,
        }
        %scan3A_88 = arith.constant 80 : i32
        "tpu.region"() ({
          %run_scoped3A = tpu.sem_alloc : memref<!tpu.dma_semaphore, #tpu.memory_space<semaphore_mem>>
          %dma_start3A_89 = arith.constant 0 : i32
          %dma_start3A_90 = tpu.memref_slice %arg8[%scan3A_58, %dma_start3A_89] : memref<5x80xi32, #tpu.memory_space<vmem>> -> memref<1x80xi32, #tpu.memory_space<vmem>>
          %dma_start3A_91 = tpu.memref_squeeze %dma_start3A_90 : memref<1x80xi32, #tpu.memory_space<vmem>> -> memref<80xi32, #tpu.memory_space<vmem>>
          %dma_start3A_92 = arith.constant 0 : i32
          %dma_start3A_93 = arith.constant 0 : i32
          %dma_start3A_94 = tpu.memref_slice %arg12[%dma_start3A_92, %dma_start3A_93] : memref<10240x144xf32, #tpu.memory_space<vmem_shared>> -> memref<10240x144xf32, #tpu.memory_space<vmem_shared>>
          tpu.enqueue_indirect_dma source(%arg11 : memref<80x144xf32, #tpu.memory_space<vmem>>) target(%dma_start3A_94 : memref<10240x144xf32, #tpu.memory_space<vmem_shared>>) offsets(%dma_start3A_91 : memref<80xi32, #tpu.memory_space<vmem>>) semaphore(%run_scoped3A : memref<!tpu.dma_semaphore, #tpu.memory_space<semaphore_mem>>) {add = true}
          %dma_wait3A_95 = arith.constant 0 : i32
          %dma_wait3A_96 = tpu.memref_slice %arg8[%scan3A_58, %dma_wait3A_95] : memref<5x80xi32, #tpu.memory_space<vmem>> -> memref<1x80xi32, #tpu.memory_space<vmem>>
          %dma_wait3A_97 = tpu.memref_squeeze %dma_wait3A_96 : memref<1x80xi32, #tpu.memory_space<vmem>> -> memref<80xi32, #tpu.memory_space<vmem>>
          %dma_wait3A_98 = arith.constant 0 : i32
          %dma_wait3A_99 = arith.constant 0 : i32
          %dma_wait3A_100 = tpu.memref_slice %arg12[%dma_wait3A_98, %dma_wait3A_99] : memref<10240x144xf32, #tpu.memory_space<vmem_shared>> -> memref<10240x144xf32, #tpu.memory_space<vmem_shared>>
          tpu.wait_indirect_dma semaphore(%run_scoped3A : memref<!tpu.dma_semaphore, #tpu.memory_space<semaphore_mem>>) src(%arg11 : memref<80x144xf32, #tpu.memory_space<vmem>>) dst(%dma_wait3A_100 : memref<10240x144xf32, #tpu.memory_space<vmem_shared>>)
          tpu.yield
        }) : () -> ()
      }
      %scan3A_57 = arith.constant 5 : i32
    }
    %scan3A_17 = arith.constant 25 : i32
    %barrier3A_18 = arith.constant 0 : index
    tpu.barrier barrier_id(%barrier3A_18)
    %scan3A_19 = arith.constant 0 : i32
    %scan3A_20 = arith.constant 0 : i32
    %scan3A_21 = arith.constant 8 : i32
    %scan3A_22 = arith.addi %scan3A_20, %scan3A_21 : i32
    %scan3A_23 = arith.constant 1 : i32
    scf.for %scan3A_25 = %scan3A_20 to %scan3A_22 step %scan3A_23  : i32 {
      %mul3A_26 = arith.constant 640 : i32
      %mul3A_27 = arith.muli %arg1, %mul3A_26 : i32
      %mul3A_28 = arith.constant 80 : i32
      %mul3A_29 = arith.muli %scan3A_25, %mul3A_28 : i32
      %add3A_30 = arith.addi %mul3A_27, %mul3A_29 : i32
      "tpu.region"() ({
        %run_scoped3A = tpu.sem_alloc : memref<!tpu.dma_semaphore, #tpu.memory_space<semaphore_mem>>
        %dma_start3A = arith.constant 0 : i32
        %dma_start3A_31 = tpu.memref_slice %arg12[%add3A_30, %dma_start3A] : memref<10240x144xf32, #tpu.memory_space<vmem_shared>> -> memref<80x144xf32, #tpu.memory_space<vmem_shared>>
        %dma_start3A_32 = arith.constant 0 : i32
        %dma_start3A_33 = tpu.memref_slice %arg12[%add3A_30, %dma_start3A_32] : memref<10240x144xf32, #tpu.memory_space<vmem_shared>> -> memref<80x144xf32, #tpu.memory_space<vmem_shared>>
        tpu.enqueue_dma source(%dma_start3A_33 : memref<80x144xf32, #tpu.memory_space<vmem_shared>>) target(%arg11 : memref<80x144xf32, #tpu.memory_space<vmem>>) target_semaphore(%run_scoped3A : memref<!tpu.dma_semaphore, #tpu.memory_space<semaphore_mem>>)
        %dma_wait3A = arith.constant 0 : i32
        %dma_wait3A_34 = tpu.memref_slice %arg12[%add3A_30, %dma_wait3A] : memref<10240x144xf32, #tpu.memory_space<vmem_shared>> -> memref<80x144xf32, #tpu.memory_space<vmem_shared>>
        %dma_wait3A_35 = arith.constant 0 : i32
        %dma_wait3A_36 = tpu.memref_slice %arg12[%add3A_30, %dma_wait3A_35] : memref<10240x144xf32, #tpu.memory_space<vmem_shared>> -> memref<80x144xf32, #tpu.memory_space<vmem_shared>>
        tpu.wait_dma2 semaphore(%run_scoped3A : memref<!tpu.dma_semaphore, #tpu.memory_space<semaphore_mem>>) src(%dma_wait3A_36 : memref<80x144xf32, #tpu.memory_space<vmem_shared>>) dst(%arg11 : memref<80x144xf32, #tpu.memory_space<vmem>>)
        tpu.yield
      }) : () -> ()
      "tpu.region"() ({
        %run_scoped3A = tpu.sem_alloc : memref<!tpu.dma_semaphore, #tpu.memory_space<semaphore_mem>>
        %dma_start3A = arith.constant 0 : i32
        %dma_start3A_31 = tpu.memref_slice %arg6[%arg0, %add3A_30, %dma_start3A] : memref<2x10240x144xf32, #tpu.memory_space<hbm>> -> memref<1x80x144xf32, #tpu.memory_space<hbm>>
        %dma_start3A_32 = tpu.memref_squeeze %dma_start3A_31 : memref<1x80x144xf32, #tpu.memory_space<hbm>> -> memref<80x144xf32, #tpu.memory_space<hbm>>
        %dma_start3A_33 = arith.constant 0 : i32
        %dma_start3A_34 = tpu.memref_slice %arg6[%arg0, %add3A_30, %dma_start3A_33] : memref<2x10240x144xf32, #tpu.memory_space<hbm>> -> memref<1x80x144xf32, #tpu.memory_space<hbm>>
        %dma_start3A_35 = tpu.memref_squeeze %dma_start3A_34 : memref<1x80x144xf32, #tpu.memory_space<hbm>> -> memref<80x144xf32, #tpu.memory_space<hbm>>
        tpu.enqueue_dma source(%arg11 : memref<80x144xf32, #tpu.memory_space<vmem>>) target(%dma_start3A_35 : memref<80x144xf32, #tpu.memory_space<hbm>>) target_semaphore(%run_scoped3A : memref<!tpu.dma_semaphore, #tpu.memory_space<semaphore_mem>>)
        %dma_wait3A = arith.constant 0 : i32
        %dma_wait3A_36 = tpu.memref_slice %arg6[%arg0, %add3A_30, %dma_wait3A] : memref<2x10240x144xf32, #tpu.memory_space<hbm>> -> memref<1x80x144xf32, #tpu.memory_space<hbm>>
        %dma_wait3A_37 = tpu.memref_squeeze %dma_wait3A_36 : memref<1x80x144xf32, #tpu.memory_space<hbm>> -> memref<80x144xf32, #tpu.memory_space<hbm>>
        %dma_wait3A_38 = arith.constant 0 : i32
        %dma_wait3A_39 = tpu.memref_slice %arg6[%arg0, %add3A_30, %dma_wait3A_38] : memref<2x10240x144xf32, #tpu.memory_space<hbm>> -> memref<1x80x144xf32, #tpu.memory_space<hbm>>
        %dma_wait3A_40 = tpu.memref_squeeze %dma_wait3A_39 : memref<1x80x144xf32, #tpu.memory_space<hbm>> -> memref<80x144xf32, #tpu.memory_space<hbm>>
        tpu.wait_dma2 semaphore(%run_scoped3A : memref<!tpu.dma_semaphore, #tpu.memory_space<semaphore_mem>>) src(%arg11 : memref<80x144xf32, #tpu.memory_space<vmem>>) dst(%dma_wait3A_40 : memref<80x144xf32, #tpu.memory_space<hbm>>)
        tpu.yield
      }) : () -> ()
    }
    %scan3A_24 = arith.constant 8 : i32
    return
  }
}

module attributes {stable_mosaic.version = 14 : i64} {
  func.func @body(%arg0: i32, %arg1: memref<1000x128xf32, #tpu.memory_space<vmem>>, %arg2: memref<128x144xf32, #tpu.memory_space<vmem>>, %arg3: memref<128x16xf32, #tpu.memory_space<vmem>>, %arg4: memref<1000x144xf32, #tpu.memory_space<vmem>>, %arg5: memref<1000x16xf32, #tpu.memory_space<vmem>>) attributes {dimension_semantics = [#tpu.dimension_semantics<arbitrary>], iteration_bounds = array<i64: 10>, scalar_prefetch = 0 : i64, scratch_operands = 0 : i64, tpu.core_type = #tpu.core_type<tc>, window_params = [{transform_indices = @transform_0, window_bounds = array<i64: 1000, 128>}, {pipeline_mode = #tpu.pipeline_mode<synchronous>, transform_indices = @transform_1, window_bounds = array<i64: 128, 144>}, {pipeline_mode = #tpu.pipeline_mode<synchronous>, transform_indices = @transform_2, window_bounds = array<i64: 128, 16>}, {transform_indices = @transform_3, window_bounds = array<i64: 1000, 144>}, {transform_indices = @transform_4, window_bounds = array<i64: 1000, 16>}]} {
    %get3A = arith.constant 0 : index
    %get3A_0 = arith.constant 0 : index
    %get3A_1 = vector.load %arg1[%get3A, %get3A_0] : memref<1000x128xf32, #tpu.memory_space<vmem>>, vector<1000x128xf32>
    %get3A_2 = arith.constant 0 : index
    %get3A_3 = arith.constant 0 : index
    %get3A_4 = vector.load %arg2[%get3A_2, %get3A_3] : memref<128x144xf32, #tpu.memory_space<vmem>>, vector<128x144xf32>
    %dot_general3A = arith.constant dense<0.000000e+00> : vector<1000x144xf32>
    %dot_general3A_5 = tpu.matmul %get3A_1, %get3A_4, %dot_general3A {dimension_numbers = #tpu.dot_dimension_numbers<[1], [0], [0], [1], [0, 0, 1, 1], [], []>, transpose_lhs_hint = false} : vector<1000x128xf32>, vector<128x144xf32>, vector<1000x144xf32> -> vector<1000x144xf32>
    %swap3A = arith.constant 0 : index
    %swap3A_6 = arith.constant 0 : index
    %swap3A_7 = vector.load %arg4[%swap3A, %swap3A_6] : memref<1000x144xf32, #tpu.memory_space<vmem>>, vector<1000x144xf32>
    tpu.vector_store %arg4[%swap3A, %swap3A_6], %dot_general3A_5 {strides = array<i32>} : memref<1000x144xf32, #tpu.memory_space<vmem>>, vector<1000x144xf32>,
    %get3A_8 = arith.constant 0 : index
    %get3A_9 = arith.constant 0 : index
    %get3A_10 = vector.load %arg3[%get3A_8, %get3A_9] : memref<128x16xf32, #tpu.memory_space<vmem>>, vector<128x16xf32>
    %dot_general3A_11 = arith.constant dense<0.000000e+00> : vector<1000x16xf32>
    %dot_general3A_12 = tpu.matmul %get3A_1, %get3A_10, %dot_general3A_11 {dimension_numbers = #tpu.dot_dimension_numbers<[1], [0], [0], [1], [0, 0, 1, 1], [], []>, transpose_lhs_hint = false} : vector<1000x128xf32>, vector<128x16xf32>, vector<1000x16xf32> -> vector<1000x16xf32>
    %swap3A_13 = arith.constant 0 : index
    %swap3A_14 = arith.constant 0 : index
    %swap3A_15 = vector.load %arg5[%swap3A_13, %swap3A_14] : memref<1000x16xf32, #tpu.memory_space<vmem>>, vector<1000x16xf32>
    tpu.vector_store %arg5[%swap3A_13, %swap3A_14], %dot_general3A_12 {strides = array<i32>} : memref<1000x16xf32, #tpu.memory_space<vmem>>, vector<1000x16xf32>,
    return
  }
  func.func @transform_0(%arg0: i32) -> (i32, i32) {
    %c0_i32 = arith.constant 0 : i32
    %c0_i32_0 = arith.constant 0 : i32
    return %arg0, %c0_i32 : i32, i32
  }
  func.func @transform_1(%arg0: i32) -> (i32, i32) {
    %c0_i32 = arith.constant 0 : i32
    %c0_i32_0 = arith.constant 0 : i32
    %c0_i32_1 = arith.constant 0 : i32
    return %c0_i32, %c0_i32_0 : i32, i32
  }
  func.func @transform_2(%arg0: i32) -> (i32, i32) {
    %c0_i32 = arith.constant 0 : i32
    %c0_i32_0 = arith.constant 0 : i32
    %c0_i32_1 = arith.constant 0 : i32
    return %c0_i32, %c0_i32_0 : i32, i32
  }
  func.func @transform_3(%arg0: i32) -> (i32, i32) {
    %c0_i32 = arith.constant 0 : i32
    %c0_i32_0 = arith.constant 0 : i32
    return %arg0, %c0_i32 : i32, i32
  }
  func.func @transform_4(%arg0: i32) -> (i32, i32) {
    %c0_i32 = arith.constant 0 : i32
    %c0_i32_0 = arith.constant 0 : i32
    return %arg0, %c0_i32 : i32, i32
  }
}

module attributes {stable_mosaic.version = 14 : i64} {
  func.func @body(%arg0: i32, %arg1: memref<2x1000x144xf32, #tpu.memory_space<vmem>>, %arg2: memref<1x128xf32, #tpu.memory_space<vmem>>, %arg3: memref<128x32xf32, #tpu.memory_space<vmem>>, %arg4: memref<128x16xf32, #tpu.memory_space<vmem>>, %arg5: memref<1000x32xf32, #tpu.memory_space<vmem>>, %arg6: memref<1000x16xf32, #tpu.memory_space<vmem>>) attributes {dimension_semantics = [#tpu.dimension_semantics<arbitrary>], iteration_bounds = array<i64: 10>, scalar_prefetch = 0 : i64, scratch_operands = 0 : i64, tpu.core_type = #tpu.core_type<tc>, window_params = [{transform_indices = @transform_0, window_bounds = array<i64: 2, 1000, 144>}, {pipeline_mode = #tpu.pipeline_mode<synchronous>, transform_indices = @transform_1, window_bounds = array<i64: 1, 128>}, {pipeline_mode = #tpu.pipeline_mode<synchronous>, transform_indices = @transform_2, window_bounds = array<i64: 128, 32>}, {pipeline_mode = #tpu.pipeline_mode<synchronous>, transform_indices = @transform_3, window_bounds = array<i64: 128, 16>}, {transform_indices = @transform_4, window_bounds = array<i64: 1000, 32>}, {transform_indices = @transform_5, window_bounds = array<i64: 1000, 16>}]} {
    %get3A = arith.constant 0 : index
    %get3A_0 = arith.constant 0 : index
    %get3A_1 = arith.constant 0 : index
    %get3A_2 = vector.load %arg1[%get3A, %get3A_0, %get3A_1] : memref<2x1000x144xf32, #tpu.memory_space<vmem>>, vector<1x1000x144xf32>
    %get3A_3 = vector.shape_cast %get3A_2 : vector<1x1000x144xf32> to vector<1000x144xf32>
    %get3A_4 = arith.constant 1 : index
    %get3A_5 = arith.constant 0 : index
    %get3A_6 = arith.constant 0 : index
    %get3A_7 = vector.load %arg1[%get3A_4, %get3A_5, %get3A_6] : memref<2x1000x144xf32, #tpu.memory_space<vmem>>, vector<1x1000x144xf32>
    %get3A_8 = vector.shape_cast %get3A_7 : vector<1x1000x144xf32> to vector<1000x144xf32>
    %add3A = arith.addf %get3A_3, %get3A_8 : vector<1000x144xf32>
    %slice3A = vector.extract_strided_slice %add3A {offsets = [0, 0], sizes = [1000, 128], strides = [1, 1]} : vector<1000x144xf32> to vector<1000x128xf32>
    %slice3A_9 = vector.extract_strided_slice %add3A {offsets = [0, 128], sizes = [1000, 8], strides = [1, 1]} : vector<1000x144xf32> to vector<1000x8xf32>
    %iota3A = tpu.iota {dimensions = array<i32: 1>} : vector<8x128xi32>
    %jit3A = arith.constant 16 : i32
    %div3A = vector.broadcast %jit3A : i32 to vector<8x128xi32>
    %div3A_10 = arith.divsi %iota3A, %div3A : vector<8x128xi32>
    %sign3A = arith.constant 0 : i32
    %sign3A_11 = vector.broadcast %sign3A : i32 to vector<8x128xi32>
    %sign3A_12 = arith.cmpi sgt, %iota3A, %sign3A_11 : vector<8x128xi32>
    %sign3A_13 = arith.extui %sign3A_12 : vector<8x128xi1> to vector<8x128xi32>
    %sign3A_14 = arith.constant 0 : i32
    %sign3A_15 = vector.broadcast %sign3A_14 : i32 to vector<8x128xi32>
    %sign3A_16 = arith.cmpi slt, %iota3A, %sign3A_15 : vector<8x128xi32>
    %sign3A_17 = arith.extui %sign3A_16 : vector<8x128xi1> to vector<8x128xi32>
    %sign3A_18 = arith.subi %sign3A_13, %sign3A_17 : vector<8x128xi32>
    %sign3A_19 = arith.constant 0 : i32
    %sign3A_20 = arith.cmpi sgt, %jit3A, %sign3A_19 : i32
    %sign3A_21 = arith.extui %sign3A_20 : i1 to i32
    %sign3A_22 = arith.constant 0 : i32
    %sign3A_23 = arith.cmpi slt, %jit3A, %sign3A_22 : i32
    %sign3A_24 = arith.extui %sign3A_23 : i1 to i32
    %sign3A_25 = arith.subi %sign3A_21, %sign3A_24 : i32
    %ne3A = vector.broadcast %sign3A_25 : i32 to vector<8x128xi32>
    %ne3A_26 = arith.cmpi ne, %sign3A_18, %ne3A : vector<8x128xi32>
    %rem3A = vector.broadcast %jit3A : i32 to vector<8x128xi32>
    %rem3A_27 = arith.remsi %iota3A, %rem3A : vector<8x128xi32>
    %ne3A_28 = arith.constant 0 : i32
    %ne3A_29 = vector.broadcast %ne3A_28 : i32 to vector<8x128xi32>
    %ne3A_30 = arith.cmpi ne, %rem3A_27, %ne3A_29 : vector<8x128xi32>
    %and3A = arith.andi %ne3A_26, %ne3A_30 : vector<8x128xi1>
    %sub3A = arith.constant 1 : i32
    %sub3A_31 = vector.broadcast %sub3A : i32 to vector<8x128xi32>
    %sub3A_32 = arith.subi %div3A_10, %sub3A_31 : vector<8x128xi32>
    %select_n3A = arith.select %and3A, %sub3A_32, %div3A_10 : vector<8x128xi1>, vector<8x128xi32>
    %iota3A_33 = tpu.iota {dimensions = array<i32: 0>} : vector<8x128xi32>
    %eq3A = arith.cmpi eq, %select_n3A, %iota3A_33 : vector<8x128xi32>
    %convert_element_type3A = arith.extui %eq3A : vector<8x128xi1> to vector<8x128xi32>
    %convert_element_type3A_34 = arith.sitofp %convert_element_type3A : vector<8x128xi32> to vector<8x128xf32>
    %dot_general3A = arith.constant dense<0.000000e+00> : vector<1000x128xf32>
    %dot_general3A_35 = tpu.matmul %slice3A_9, %convert_element_type3A_34, %dot_general3A {dimension_numbers = #tpu.dot_dimension_numbers<[1], [0], [0], [1], [0, 0, 1, 1], [], []>, transpose_lhs_hint = false} : vector<1000x8xf32>, vector<8x128xf32>, vector<1000x128xf32> -> vector<1000x128xf32>
    %add3A_36 = arith.constant 1.000000e-16 : f32
    %add3A_37 = vector.broadcast %add3A_36 : f32 to vector<1000x128xf32>
    %add3A_38 = arith.addf %dot_general3A_35, %add3A_37 : vector<1000x128xf32>
    %div3A_39 = arith.divf %slice3A, %add3A_38 : vector<1000x128xf32>
    %get3A_40 = arith.constant 0 : index
    %get3A_41 = arith.constant 0 : index
    %get3A_42 = vector.load %arg2[%get3A_40, %get3A_41] : memref<1x128xf32, #tpu.memory_space<vmem>>, vector<1x128xf32>
    %add3A_43 = vector.broadcast %get3A_42 : vector<1x128xf32> to vector<1000x128xf32>
    %add3A_44 = arith.addf %div3A_39, %add3A_43 : vector<1000x128xf32>
    %gt3A = arith.constant 0.000000e+00 : f32
    %gt3A_45 = vector.broadcast %gt3A : f32 to vector<1000x128xf32>
    %gt3A_46 = arith.cmpf ogt, %add3A_44, %gt3A_45 : vector<1000x128xf32>
    %exp3A = math.exp %add3A_44 : vector<1000x128xf32>
    %sub3A_47 = arith.constant 1.000000e+00 : f32
    %sub3A_48 = vector.broadcast %sub3A_47 : f32 to vector<1000x128xf32>
    %sub3A_49 = arith.subf %exp3A, %sub3A_48 : vector<1000x128xf32>
    %select_n3A_50 = arith.select %gt3A_46, %add3A_44, %sub3A_49 : vector<1000x128xi1>, vector<1000x128xf32>
    %get3A_51 = arith.constant 0 : index
    %get3A_52 = arith.constant 0 : index
    %get3A_53 = vector.load %arg3[%get3A_51, %get3A_52] : memref<128x32xf32, #tpu.memory_space<vmem>>, vector<128x32xf32>
    %dot_general3A_54 = arith.constant dense<0.000000e+00> : vector<1000x32xf32>
    %dot_general3A_55 = tpu.matmul %select_n3A_50, %get3A_53, %dot_general3A_54 {dimension_numbers = #tpu.dot_dimension_numbers<[1], [0], [0], [1], [0, 0, 1, 1], [], []>, transpose_lhs_hint = false} : vector<1000x128xf32>, vector<128x32xf32>, vector<1000x32xf32> -> vector<1000x32xf32>
    %swap3A = arith.constant 0 : index
    %swap3A_56 = arith.constant 0 : index
    %swap3A_57 = vector.load %arg5[%swap3A, %swap3A_56] : memref<1000x32xf32, #tpu.memory_space<vmem>>, vector<1000x32xf32>
    tpu.vector_store %arg5[%swap3A, %swap3A_56], %dot_general3A_55 {strides = array<i32>} : memref<1000x32xf32, #tpu.memory_space<vmem>>, vector<1000x32xf32>,
    %get3A_58 = arith.constant 0 : index
    %get3A_59 = arith.constant 0 : index
    %get3A_60 = vector.load %arg4[%get3A_58, %get3A_59] : memref<128x16xf32, #tpu.memory_space<vmem>>, vector<128x16xf32>
    %dot_general3A_61 = arith.constant dense<0.000000e+00> : vector<1000x16xf32>
    %dot_general3A_62 = tpu.matmul %select_n3A_50, %get3A_60, %dot_general3A_61 {dimension_numbers = #tpu.dot_dimension_numbers<[1], [0], [0], [1], [0, 0, 1, 1], [], []>, transpose_lhs_hint = false} : vector<1000x128xf32>, vector<128x16xf32>, vector<1000x16xf32> -> vector<1000x16xf32>
    %swap3A_63 = arith.constant 0 : index
    %swap3A_64 = arith.constant 0 : index
    %swap3A_65 = vector.load %arg6[%swap3A_63, %swap3A_64] : memref<1000x16xf32, #tpu.memory_space<vmem>>, vector<1000x16xf32>
    tpu.vector_store %arg6[%swap3A_63, %swap3A_64], %dot_general3A_62 {strides = array<i32>} : memref<1000x16xf32, #tpu.memory_space<vmem>>, vector<1000x16xf32>,
    return
  }
  func.func @transform_0(%arg0: i32) -> (i32, i32, i32) {
    %c0_i32 = arith.constant 0 : i32
    %c0_i32_0 = arith.constant 0 : i32
    %c0_i32_1 = arith.constant 0 : i32
    return %c0_i32, %arg0, %c0_i32_0 : i32, i32, i32
  }
  func.func @transform_1(%arg0: i32) -> (i32, i32) {
    %c0_i32 = arith.constant 0 : i32
    %c0_i32_0 = arith.constant 0 : i32
    %c0_i32_1 = arith.constant 0 : i32
    return %c0_i32, %c0_i32_0 : i32, i32
  }
  func.func @transform_2(%arg0: i32) -> (i32, i32) {
    %c0_i32 = arith.constant 0 : i32
    %c0_i32_0 = arith.constant 0 : i32
    %c0_i32_1 = arith.constant 0 : i32
    return %c0_i32, %c0_i32_0 : i32, i32
  }
  func.func @transform_3(%arg0: i32) -> (i32, i32) {
    %c0_i32 = arith.constant 0 : i32
    %c0_i32_0 = arith.constant 0 : i32
    %c0_i32_1 = arith.constant 0 : i32
    return %c0_i32, %c0_i32_0 : i32, i32
  }
  func.func @transform_4(%arg0: i32) -> (i32, i32) {
    %c0_i32 = arith.constant 0 : i32
    %c0_i32_0 = arith.constant 0 : i32
    return %arg0, %c0_i32 : i32, i32
  }
  func.func @transform_5(%arg0: i32) -> (i32, i32) {
    %c0_i32 = arith.constant 0 : i32
    %c0_i32_0 = arith.constant 0 : i32
    return %arg0, %c0_i32 : i32, i32
  }
}

module attributes {stable_mosaic.version = 14 : i64} {
  func.func @body(%arg0: i32, %arg1: memref<2x1000x32xf32, #tpu.memory_space<vmem>>, %arg2: memref<1x16xf32, #tpu.memory_space<vmem>>, %arg3: memref<1000x16xf32, #tpu.memory_space<vmem>>) attributes {dimension_semantics = [#tpu.dimension_semantics<arbitrary>], iteration_bounds = array<i64: 10>, scalar_prefetch = 0 : i64, scratch_operands = 0 : i64, tpu.core_type = #tpu.core_type<tc>, window_params = [{transform_indices = @transform_0, window_bounds = array<i64: 2, 1000, 32>}, {pipeline_mode = #tpu.pipeline_mode<synchronous>, transform_indices = @transform_1, window_bounds = array<i64: 1, 16>}, {transform_indices = @transform_2, window_bounds = array<i64: 1000, 16>}]} {
    %get3A = arith.constant 0 : index
    %get3A_0 = arith.constant 0 : index
    %get3A_1 = arith.constant 0 : index
    %get3A_2 = vector.load %arg1[%get3A, %get3A_0, %get3A_1] : memref<2x1000x32xf32, #tpu.memory_space<vmem>>, vector<1x1000x32xf32>
    %get3A_3 = vector.shape_cast %get3A_2 : vector<1x1000x32xf32> to vector<1000x32xf32>
    %get3A_4 = arith.constant 1 : index
    %get3A_5 = arith.constant 0 : index
    %get3A_6 = arith.constant 0 : index
    %get3A_7 = vector.load %arg1[%get3A_4, %get3A_5, %get3A_6] : memref<2x1000x32xf32, #tpu.memory_space<vmem>>, vector<1x1000x32xf32>
    %get3A_8 = vector.shape_cast %get3A_7 : vector<1x1000x32xf32> to vector<1000x32xf32>
    %add3A = arith.addf %get3A_3, %get3A_8 : vector<1000x32xf32>
    %slice3A = vector.extract_strided_slice %add3A {offsets = [0, 0], sizes = [1000, 16], strides = [1, 1]} : vector<1000x32xf32> to vector<1000x16xf32>
    %slice3A_9 = vector.extract_strided_slice %add3A {offsets = [0, 16], sizes = [1000, 1], strides = [1, 1]} : vector<1000x32xf32> to vector<1000x1xf32>
    %add3A_10 = arith.constant 1.000000e-16 : f32
    %add3A_11 = vector.broadcast %add3A_10 : f32 to vector<1000x1xf32>
    %add3A_12 = arith.addf %slice3A_9, %add3A_11 : vector<1000x1xf32>
    %div3A = vector.broadcast %add3A_12 : vector<1000x1xf32> to vector<1000x16xf32>
    %div3A_13 = arith.divf %slice3A, %div3A : vector<1000x16xf32>
    %get3A_14 = arith.constant 0 : index
    %get3A_15 = arith.constant 0 : index
    %get3A_16 = vector.load %arg2[%get3A_14, %get3A_15] : memref<1x16xf32, #tpu.memory_space<vmem>>, vector<1x16xf32>
    %add3A_17 = vector.broadcast %get3A_16 : vector<1x16xf32> to vector<1000x16xf32>
    %add3A_18 = arith.addf %div3A_13, %add3A_17 : vector<1000x16xf32>
    %reduce_max3A = arith.constant dense<0xFF800000> : vector<1000xf32>
    %reduce_max3A_19 = vector.multi_reduction <maximumf>, %add3A_18, %reduce_max3A [1] : vector<1000x16xf32> to vector<1000xf32>
    %broadcast_in_dim3A = vector.shape_cast %reduce_max3A_19 : vector<1000xf32> to vector<1000x1xf32>
    %sub3A = vector.broadcast %broadcast_in_dim3A : vector<1000x1xf32> to vector<1000x16xf32>
    %sub3A_20 = arith.subf %add3A_18, %sub3A : vector<1000x16xf32>
    %exp3A = math.exp %sub3A_20 : vector<1000x16xf32>
    %reduce_sum3A = arith.constant dense<0.000000e+00> : vector<1000xf32>
    %reduce_sum3A_21 = vector.multi_reduction <add>, %exp3A, %reduce_sum3A [1] : vector<1000x16xf32> to vector<1000xf32>
    %broadcast_in_dim3A_22 = vector.shape_cast %reduce_sum3A_21 : vector<1000xf32> to vector<1000x1xf32>
    %log3A = math.log %broadcast_in_dim3A_22 : vector<1000x1xf32>
    %sub3A_23 = vector.broadcast %log3A : vector<1000x1xf32> to vector<1000x16xf32>
    %sub3A_24 = arith.subf %sub3A_20, %sub3A_23 : vector<1000x16xf32>
    %swap3A = arith.constant 0 : index
    %swap3A_25 = arith.constant 0 : index
    %swap3A_26 = vector.load %arg3[%swap3A, %swap3A_25] : memref<1000x16xf32, #tpu.memory_space<vmem>>, vector<1000x16xf32>
    tpu.vector_store %arg3[%swap3A, %swap3A_25], %sub3A_24 {strides = array<i32>} : memref<1000x16xf32, #tpu.memory_space<vmem>>, vector<1000x16xf32>,
    return
  }
  func.func @transform_0(%arg0: i32) -> (i32, i32, i32) {
    %c0_i32 = arith.constant 0 : i32
    %c0_i32_0 = arith.constant 0 : i32
    %c0_i32_1 = arith.constant 0 : i32
    return %c0_i32, %arg0, %c0_i32_0 : i32, i32, i32
  }
  func.func @transform_1(%arg0: i32) -> (i32, i32) {
    %c0_i32 = arith.constant 0 : i32
    %c0_i32_0 = arith.constant 0 : i32
    %c0_i32_1 = arith.constant 0 : i32
    return %c0_i32, %c0_i32_0 : i32, i32
  }
  func.func @transform_2(%arg0: i32) -> (i32, i32) {
    %c0_i32 = arith.constant 0 : i32
    %c0_i32_0 = arith.constant 0 : i32
    return %arg0, %c0_i32 : i32, i32
  }
}

</mosaic_0001>

<sc_bundles>
// kernel: kernel.10.cloned.1.call-start
scs
__scs_entry_jumppad:
0x0: {  	(pc) =	sbr.rel $0x88, $3  }
0x1: {  	(tag) =	ssettag $0x0;
	lr =	simm.s32 $0x1  }
0x2: {  	[smem:$0x3F97] =	sst lr;
	_ =	strace $0xD0000000  }
0x3: {  	_ = 	snop  }
0x4: {  	_ = 	snop  }
0x5: {  	_ = 	snop  }
0x6: {  	_ = 	snop  }
0x7: {  	_ = 	snop  }
__scs_overlays_trampoline_lowered:
0x8: {  	[smem:$0x3FA6] =	sst s0  }
0x9: {  	[smem:$0x3FA7] =	sst s1  }
0xa: {  	[smem:$0x3FA8] =	sst s2  }
0xb: {  	[smem:$0x3FA9] =	sst s3  }
0xc: {  	[smem:$0x3FAA] =	sst s4  }
0xd: {  	[smem:$0x3FAB] =	sst s5  }
0xe: {  	[smem:$0x3FAC] =	sst s6  }
0xf: {  	[smem:$0x3FAD] =	sst s7  }
0x10: {  	[smem:$0x3FAE] =	sst s8  }
0x11: {  	[smem:$0x3FAF] =	sst s9;
	s0 =	simm.s32 @!p0 $0x0  }
0x12: {  	s1 =	sld [smem:$0x3F95];
	s0 =	simm.s32 @p0 $0x1  }
0x13: {  	[smem:$0x3FB0] =	sst s0;
	s0 =	simm.s32 @!p1 $0x0  }
0x14: {  	s2 =	sld [smem:$0x3F94];
	s0 =	simm.s32 @p1 $0x1  }
0x15: {  	[smem:$0x3FB1] =	sst s0;
	s0 =	simm.s32 @!p2 $0x0  }
0x16: {  	s3 =	sld [smem:$0x3FDB];
	s0 =	simm.s32 @p2 $0x1  }
0x17: {  	s4 =	simm.s32 $0x1BF5;
	[smem:$0x3FB3] =	sst s0  }
0x18: {  	s0 =	sld [smem:$0x3F96];
	_ =	swait.ge [sflag:s4], $0x0  }
0x19: {  	s7 =	sld [smem:$0x3F97]  }
0x1a: {  	s8 =	sadd.s32 $0xFFFFE003, lr  }
0x1b: {  	s9 =	sadd.s32 $0xFFFFFEF7, lr;
	s5 =	simm.s32 $0xFFFFFFFF;
	p2 =	slt.u32 s8, $0xFFFFF086  }
0x1c: {  	p1 =	slt.u32 s9, $0xF7A;
	s5 =	simm.s32 @!p2 $0x0  }
0x1d: {  	s5 =	simm.s32 @p1 $0x1;
	p0 =	seq.s32 s7, s2  }
0x1e: {  	s7 =	smul.u32 @!p0 $0xF7A, s2;
	p2 =	seq.s32 @!p0 s5, $0x0  }
0x1f: {  	s9 =	smul.u32 $0xF7A, s1;
	s8 =	simm.s32 @!p0 $0x1BF5;
	p2 =	por !p2, p0  }
0x20: {  	[sflag:s8] =	ssyncset.s32 @!p0 $0xFFFFF086;
	s6 =	sadd.s32 @!p0 s3, s7;
	s7 =	simm.s32 @!p0 $0x108  }
0x21: {  	s3 =	sadd.s32 s3, s9;
	s6 =	sadd.s32 @!p0 $0x88, s6;
	s7 =	simm.s32 @p2 $0x1082  }
0x22: {  	[simem:s7], [sflag:s8] =	dma.local @!p0 [hbm:s6], $0xF7A  }
0x23: {  	s9 =	sor.u32 $0xD0000000, s2;
	s6 =	simm.s32 $0x108;
	_ =	swait.ge @!p0 [sflag:s8], $0x0  }
0x24: {  	s3 =	sadd.s32 $0x88, s3;
	s6 =	simm.s32 @!p1 $0x1082;
	[sflag:s4] =	ssyncset.s32 $0xFFFFF086  }
0x25: {  	[simem:s6], [sflag:s4] =	dma.local [hbm:s3], $0xF7A  }
0x26: {  	[smem:$0x3F97] =	sst s1;
	(tag) =	ssettag s2;
	_ =	strace s9  }
0x27: {  	s1 =	sld [smem:$0x3FA7]  }
0x28: {  	s2 =	sld [smem:$0x3FA8]  }
0x29: {  	s4 =	sld [smem:$0x3FAA]  }
0x2a: {  	p0 =	seq.s32 s5, $0x0;
	s5 =	sld [smem:$0x3FAB]  }
0x2b: {  	s6 =	sld [smem:$0x3FAC]  }
0x2c: {  	s7 =	sld [smem:$0x3FAD]  }
0x2d: {  	s3 =	simm.s32 $0x108;
	s8 =	sld [smem:$0x3FAE]  }
0x2e: {  	s3 =	simm.s32 @!p0 $0x1082;
	s9 =	sld [smem:$0x3FAF]  }
0x2f: {  	lr =	sadd.s32 s0, s3;
	s0 =	sld [smem:$0x3FA6]  }
0x30: {  	s3 =	sld [smem:$0x3FA9]  }
0x31: {  	[smem:$0x3FB2] =	sst s10  }
0x32: {  	s10 =	sld [smem:$0x3FB0];
	_ =	sdelay $0x3  }
0x33: {  	p0 =	seq.s32 s10, $0x1;
	s10 =	sld [smem:$0x3FB2];
	_ =	sdelay $0x3  }
0x34: {  	[smem:$0x3FB2] =	sst s10  }
0x35: {  	s10 =	sld [smem:$0x3FB1];
	_ =	sdelay $0x3  }
0x36: {  	p1 =	seq.s32 s10, $0x1;
	s10 =	sld [smem:$0x3FB2];
	_ =	sdelay $0x3  }
0x37: {  	[smem:$0x3FB2] =	sst s10  }
0x38: {  	s10 =	sld [smem:$0x3FB3]  }
0x39: {  	_ = 	snop;
	(pc) =	sbr.ind lr, $3  }
0x3a: {  	_ = 	snop  }
0x3b: {  	_ = 	snop  }
0x3c: {  	p2 =	seq.s32 s10, $0x1;
	s10 =	sld [smem:$0x3FB2]  }
0x3d: {  	_ =	shalt  }
0x3e: {  	_ =	shalt  }
0x3f: {  	_ =	shalt  }
0x40: {  	_ =	shalt  }
0x41: {  	_ =	shalt  }
0x42: {  	_ =	shalt  }
0x43: {  	_ =	shalt  }
0x44: {  	_ =	shalt  }
0x45: {  	_ =	shalt  }
0x46: {  	_ =	shalt  }
0x47: {  	_ =	shalt  }
0x48: {  	_ =	shalt  }
0x49: {  	_ =	shalt  }
0x4a: {  	_ =	shalt  }
0x4b: {  	_ =	shalt  }
0x4c: {  	_ =	shalt  }
0x4d: {  	_ =	shalt  }
0x4e: {  	_ =	shalt  }
0x4f: {  	_ =	shalt  }
0x50: {  	_ =	shalt  }
0x51: {  	_ =	shalt  }
0x52: {  	_ =	shalt  }
0x53: {  	_ =	shalt  }
0x54: {  	_ =	shalt  }
0x55: {  	_ =	shalt  }
0x56: {  	_ =	shalt  }
0x57: {  	_ =	shalt  }
0x58: {  	_ =	shalt  }
0x59: {  	_ =	shalt  }
0x5a: {  	_ =	shalt  }
0x5b: {  	_ =	shalt  }
0x5c: {  	_ =	shalt  }
0x5d: {  	_ =	shalt  }
0x5e: {  	_ =	shalt  }
0x5f: {  	_ =	shalt  }
0x60: {  	_ =	shalt  }
0x61: {  	_ =	shalt  }
0x62: {  	_ =	shalt  }
0x63: {  	_ =	shalt  }
0x64: {  	_ =	shalt  }
0x65: {  	_ =	shalt  }
0x66: {  	_ =	shalt  }
0x67: {  	_ =	shalt  }
0x68: {  	_ =	shalt  }
0x69: {  	_ =	shalt  }
0x6a: {  	_ =	shalt  }
0x6b: {  	_ =	shalt  }
0x6c: {  	_ =	shalt  }
0x6d: {  	_ =	shalt  }
0x6e: {  	_ =	shalt  }
0x6f: {  	_ =	shalt  }
0x70: {  	_ =	shalt  }
0x71: {  	_ =	shalt  }
0x72: {  	_ =	shalt  }
0x73: {  	_ =	shalt  }
0x74: {  	_ =	shalt  }
0x75: {  	_ =	shalt  }
0x76: {  	_ =	shalt  }
0x77: {  	_ =	shalt  }
0x78: {  	_ =	shalt  }
0x79: {  	_ =	shalt  }
0x7a: {  	_ =	shalt  }
0x7b: {  	_ =	shalt  }
0x7c: {  	_ =	shalt  }
0x7d: {  	_ =	shalt  }
0x7e: {  	_ =	shalt  }
0x7f: {  	_ =	shalt  }
0x80: {  	_ =	shalt  }
0x81: {  	_ =	shalt  }
0x82: {  	_ =	shalt  }
0x83: {  	_ =	shalt  }
0x84: {  	_ =	shalt  }
0x85: {  	_ =	shalt  }
0x86: {  	_ =	shalt  }
0x87: {  	_ =	shalt  }
.Lfunc_end0:
.L_simem_size_0:
called_computation.1_lowered:
.L_overlay_start_0:
0x88: {  	s2 =	sld [smem:$0x3FD9]  }
0x89: {  	s3 =	sld [smem:$0x3FFE];
	_ =	sdelay $0x1  }
0x8a: {  	s1 =	srdreg.scid  }
0x8b: {  	s0 =	sand.u32 $0x1, s1  }
0x8c: {  	s17 =	sshll.u32 s0, $0xA;
	s2 =	sadd.s32 s3, s2  }
0x8d: {  	s2 =	sadd.s32 s2, s17  }
0x8e: {  	[smem:$0x3FBE] =	sst s2  }
0x8f: {  	_ = 	snop  }
0x90: {  	s2 =	sld [smem:$0x3FD0];
	(tm) =	ssettm $0x1  }
0x91: {  	s18 =	sld [smem:$0x3FFB];
	_ =	sdelay $0x3  }
0x92: {  	_ =	strace s18  }
0x93: {  	s3 =	sld [smem:$0x3FFC];
	_ =	sdelay $0x3  }
0x94: {  	_ =	strace s3  }
0x95: {  	s3 =	sld [smem:$0x3FFD];
	_ =	sdelay $0x3  }
0x96: {  	_ =	strace s3  }
0x97: {  	_ =	strace $0x8FFFFFFF  }
0x98: {  	s19 =	sld [smem:$0x3FDB];
	_ =	sdelay $0x1  }
0x99: {  	s4 =	simm.s32 $_scs_section_size  }
0x9a: {  	s5 =	simm.s32 $_size__tile_overlayer_lowered;
	s6 =	simm.s32 $_tile_overlayer_lowered  }
0x9b: {  	s22 =	simm.s32 $0x1BFF;
	s21 =	sshll.u32 s6, $0x1;
	s3 =	sadd.s32 s4, s19  }
0x9c: {  	s7 =	simm.s32 $0x0;
	s20 =	sshll.u32 s5, $0x1;
	s5 =	sadd.s32 s21, s3  }
0x9d: {  	[timem:s7], [sflag:s22] =	dma.local [hbm:s5], s20  }
0x9e: {  	_ =	swait.ge [sflag:s22], s20  }
0x9f: {  	s4 =	ssub.s32 $0x0, s20;
	[sflag:s22] =	ssyncset.done $0x0  }
0xa0: {  	[sflag:s22] =	ssyncadd.s32 s4;
	_ =	sdelay $0x1  }
0xa1: {  	s23 =	simm.s32 $0x1B8B  }
0xa2: {  	_ =	swait.ge [sflag:s23], $0x1  }
0xa3: {  	[sflag:s23] =	ssyncset.done $0x0  }
0xa4: {  	s25 =	simm.s32 $0x1B8E;
	s24 =	sld [smem:$0x3FFE];
	[sflag:s23] =	ssyncadd.s32 $0xFFFFFFFF  }
0xa5: {  	s26 =	simm.s32 $execute0_lowered;
	[smem:$0x3FD2] =	sst s25  }
0xa6: {  	s5 =	sshll.u32 s26, $0x1;
	_ =	strace $0x80000049;
	[dreg:$0x1] =	wrdreg $0xFFFFFFFF  }
0xa7: {  	s28 =	simm.s32 $_size_execute0_lowered;
	s3 =	sadd.s32 s3, s5;
	[dreg:$0x0] =	wrdreg $0x0  }
0xa8: {  	s5 =	sshll.u32 s28, $0x1;
	[dreg:$0x2] =	wrdreg s3  }
0xa9: {  	[dreg:$0x3] =	wrdreg s5  }
0xaa: {  	[dreg:$0x4] =	wrdreg $0xC0  }
0xab: {  	_ =	task [dreg:s7], $0x5FFFF  }
0xac: {  	[dreg:$0x1] =	wrdreg $0xFFFFFFFF  }
0xad: {  	[dreg:$0x0] =	wrdreg $0x60  }
0xae: {  	[dreg:$0x2] =	wrdreg s24  }
0xaf: {  	[dreg:$0x3] =	wrdreg s2  }
0xb0: {  	[dreg:$0x4] =	wrdreg $0x1C200  }
0xb1: {  	[dreg:$0x5] =	wrdreg $0x9  }
0xb2: {  	_ =	task.clear_ibuf [dreg:s7], $0x6FFFF;
	_ =	strace $0x90000049  }
0xb3: {  	s29 =	simm.s32 $0x9;
	_ =	strace $0x8000004B  }
0xb4: {  	_ =	swait.ge [sflag:s29], $0x1  }
0xb5: {  	[sflag:s29] =	ssyncadd.s32 $0xFFFFFFFF  }
0xb6: {  	_ =	strace $0x9000004B  }
0xb7: {  	_ =	sfence  }
0xb8: {  	s30 =	sld [smem:$0x0];
	_ =	sdelay $0x2  }
0xb9: {  	s31 =	sshll.u32 s1, $0xD;
	s1 =	sshrl.u32 s1, $0x2  }
0xba: {  	s3 =	sand.u32 $0x4000, s31;
	s1 =	sadd.s32 s1, s30  }
0xbb: {  	s0 =	sor.u32 s3, s0;
	s1 =	sshll.u32 s1, $0x11  }
0xbc: {  	s0 =	sor.u32 s1, s0  }
0xbd: {  	s0 =	sadd.s32 $0x8F2B, s0  }
0xbe: {  	[sflag:s0] =	ssyncadd.remote.s32 $0x1  }
0xbf: {  	_ =	sfence.sel $0xFFFF  }
0xc0: {  	[dreg:$0x0] =	wrdreg $0xFFFFFFFF;
	(pc) =	sbr.abs _section_cstart, $3  }
0xc1: {  	[dreg:$0x1] =	wrdreg $0xFFFFFFFF  }
0xc2: {  	_ =	task.clear_ibuf [dreg:s7], $0x2FFFF;
	_ =	strace $0x9FFFFFFF  }
0xc3: {  	(tm) =	ssettm $0x7FFFFFFF  }
tec
execute0_lowered:
.L_overlay_start_1:
0x0: {  	(tag) =	ssettag $0x1  }
0x1: {  	s0 =	rddreg [dreg:$0x0]  }
0x2: {  	s1 =	rddreg [dreg:$0x1]  }
0x3: {  	s2 =	rddreg [dreg:$0x2];
	s3 =	srdreg.scid  }
0x4: {  	s4 =	simm.s32 $0x0;
	s16 =	stileid.u32;
	s28 =	simm.s32 $0x1220  }
0x5: {  	s29 =	simm.s32 $0x3;
	s30 =	simm.s32 $0x190;
	s31 =	simm.s32 $0x1  }
0x6: {  	s3 =	sand.u32 $0x1, s3;
	[smem:$0x7FF] =	sst s4;
	s7 =	smul.u32 $0x5000, s16  }
0x7: {  	s8 =	sadd.s32 $0xB400, s0;
	s9 =	smul.u32 $0x14000, s16;
	s5 =	ssub.s32 $0x2, s3  }
0x8: {  	_ =	strace $0x8000004A;
	s20 =	smul.u32 $0x50000, s3;
	s3 =	sshll.u32 s3, $0x4  }
0x9: {  	s6 =	sshrl.u32 s5, $0x1;
	s10 =	sor.u32 $0xA00, s7;
	s11 =	sadd.s32 $0x1400, s7  }
0xa: {  	s12 =	sadd.s32 $0x1E00, s7;
	s17 =	sadd.s32 $0x2800, s7;
	s24 =	sadd.s32 $0x3200, s7  }
0xb: {  	s25 =	sadd.s32 $0x3C00, s7;
	s26 =	sadd.s32 $0x4600, s7;
	s3 =	sor.u32 s16, s3  }
0xc: {  	s5 =	ssub.s32 s5, s6;
	s13 =	sadd.s32 s20, s7;
	s14 =	sadd.s32 s20, s10  }
0xd: {  	s22 =	sadd.s32 s20, s11;
	s23 =	sadd.s32 s20, s12;
	s15 =	sadd.s32 s20, s17  }
0xe: {  	s18 =	sadd.s32 s20, s24;
	s19 =	sadd.s32 s20, s25;
	s6 =	sadd.s32 s20, s26  }
0xf: {  	s16 =	smul.u32 $0x2710, s3;
	s24 =	sadd.s32 s24, s2;
	s25 =	sadd.s32 s25, s2  }
0x10: {  	s26 =	sadd.s32 s26, s2;
	s3 =	simm.s32 $0x50;
	s13 =	sshrl.u32 s13, $0x3  }
0x11: {  	s14 =	sshrl.u32 s14, $0x3;
	s15 =	sshrl.u32 s15, $0x3;
	s6 =	sshrl.u32 s6, $0x3  }
0x12: {  	s13 =	sadd.s32 s8, s13;
	s21 =	sadd.s32 s8, s14;
	s14 =	sshrl.u32 s23, $0x3  }
0x13: {  	s15 =	sadd.s32 s8, s15;
	s6 =	sadd.s32 s8, s6;
	[dreg:$0x4] =	wrdreg s13  }
0x14: {  	s23 =	smax.u32 s5, $0x1;
	s5 =	simm.s32 $0x320;
	[dreg:$0x5] =	wrdreg s21  }
0x15: {  	s13 =	sshrl.u32 s22, $0x3;
	s14 =	sadd.s32 s8, s14;
	[dreg:$0x8] =	wrdreg s15  }
0x16: {  	[dreg:$0xb] =	wrdreg s6;
	s15 =	sadd.s32 $0x2D600, s0;
	s21 =	sshrl.u32 s9, $0x2  }
0x17: {  	s22 =	sadd.s32 s7, s2;
	[dreg:$0xd] =	wrdreg s23;
	s23 =	sadd.s32 s17, s2  }
0x18: {  	s6 =	simm.s32 $0x0;
	s13 =	sadd.s32 s8, s13;
	[dreg:$0x7] =	wrdreg s14  }
0x19: {  	s14 =	sshrl.u32 s19, $0x3;
	[dreg:$0xc] =	wrdreg s22;
	s19 =	sadd.s32 s21, s2  }
0x1a: {  	s21 =	sadd.s32 s11, s2;
	s22 =	sadd.s32 s12, s2;
	[dreg:$0x6] =	wrdreg s13  }
0x1b: {  	s13 =	sshrl.u32 s18, $0x3;
	s20 =	sadd.s32 s8, s14;
	s14 =	sadd.s32 $0x37400, s0  }
0x1c: {  	s13 =	sadd.s32 s8, s13;
	[dreg:$0xa] =	wrdreg s20;
	s20 =	sadd.s32 s10, s2  }
0x1d: {  	v0 =	vimm.f32 $0.0e+00;
	[dreg:$0x9] =	wrdreg s13;
	s13 =	sadd.s32 $0x1600, s0;
	s0 =	simm.s32 $0x2  }
.LBB2_1:
0x1e: {  	s7 =	simm.s32 $0x80;
	s8 =	simm.s32 $0x0  }
.LBB2_2:
0x1f: {  	p0 =	sne.s32 s7, $0x2780;
	[tilespmem:s8+$0x1220] =	vst v0;
	s9 =	smov.u32 s7;
	s7 =	sadd.s32 $0x80, s7  }
.Ltmp0:
0x20: {  	[tilespmem:s8+$0x1230] =	vst v0;
	(pc) =	sbr.rel @p0 .LBB2_2-.Ltmp0, $2  }
0x21: {  	_ =	sdelay $0x2  }
0x22: {  	s8 =	sshra.s32 s9, $0x2  }
0x23: {  	[tilespmem:s8+$0x1220] =	vst v0  }
0x24: {  	[tilespmem:s8+$0x1230] =	vst v0  }
0x25: {  	[spmem:s19] =	stream.linear.scatter [tilespmem:s28], [sflag:$0x3], $0xA00, $0x38;
	[tilespmem:$0x6C20] =	vst v63  }
0x26: {  	_ =	swait.ge [sflag:s29], $0xA00  }
0x27: {  	[sflag:s29] =	ssyncset.done $0x0  }
0x28: {  	[sflag:s29] =	ssyncadd.s32 $0xFFFFF600  }
0x29: {  	[spmem:s20] =	stream.linear.scatter [tilespmem:s28], [sflag:$0x3], $0xA00, $0x38;
	[tilespmem:$0x6C20] =	vst v63  }
0x2a: {  	_ =	swait.ge [sflag:s29], $0xA00  }
0x2b: {  	[sflag:s29] =	ssyncset.done $0x0  }
0x2c: {  	[sflag:s29] =	ssyncadd.s32 $0xFFFFF600  }
0x2d: {  	[spmem:s21] =	stream.linear.scatter [tilespmem:s28], [sflag:$0x3], $0xA00, $0x38;
	[tilespmem:$0x6C20] =	vst v63  }
0x2e: {  	_ =	swait.ge [sflag:s29], $0xA00  }
0x2f: {  	[sflag:s29] =	ssyncset.done $0x0  }
0x30: {  	[sflag:s29] =	ssyncadd.s32 $0xFFFFF600  }
0x31: {  	[spmem:s22] =	stream.linear.scatter [tilespmem:s28], [sflag:$0x3], $0xA00, $0x38;
	[tilespmem:$0x6C20] =	vst v63  }
0x32: {  	_ =	swait.ge [sflag:s29], $0xA00  }
0x33: {  	[sflag:s29] =	ssyncset.done $0x0  }
0x34: {  	[sflag:s29] =	ssyncadd.s32 $0xFFFFF600  }
0x35: {  	[spmem:s23] =	stream.linear.scatter [tilespmem:s28], [sflag:$0x3], $0xA00, $0x38;
	[tilespmem:$0x6C20] =	vst v63  }
0x36: {  	_ =	swait.ge [sflag:s29], $0xA00  }
0x37: {  	[sflag:s29] =	ssyncset.done $0x0  }
0x38: {  	[sflag:s29] =	ssyncadd.s32 $0xFFFFF600  }
0x39: {  	[spmem:s24] =	stream.linear.scatter [tilespmem:s28], [sflag:$0x3], $0xA00, $0x38;
	[tilespmem:$0x6C20] =	vst v63  }
0x3a: {  	_ =	swait.ge [sflag:s29], $0xA00  }
0x3b: {  	[sflag:s29] =	ssyncset.done $0x0  }
0x3c: {  	[sflag:s29] =	ssyncadd.s32 $0xFFFFF600  }
0x3d: {  	[spmem:s25] =	stream.linear.scatter [tilespmem:s28], [sflag:$0x3], $0xA00, $0x38;
	[tilespmem:$0x6C20] =	vst v63  }
0x3e: {  	_ =	swait.ge [sflag:s29], $0xA00  }
0x3f: {  	[sflag:s29] =	ssyncset.done $0x0  }
0x40: {  	[sflag:s29] =	ssyncadd.s32 $0xFFFFF600  }
0x41: {  	[spmem:s26] =	stream.linear.scatter [tilespmem:s28], [sflag:$0x3], $0xA00, $0x38;
	[tilespmem:$0x6C20] =	vst v63  }
0x42: {  	_ =	swait.ge [sflag:s29], $0xA00  }
0x43: {  	[sflag:s29] =	ssyncset.done $0x0  }
0x44: {  	[sflag:s29] =	ssyncadd.s32 $0xFFFFF600  }
0x45: {  	s7 =	simm.s32 $0x0;
	s8 =	simm.s32 $0x0;
	[bflag:$0x0] =	sbarrier.arrive $0xFFFF  }
.LBB2_4:
0x46: {  	s9 =	smul.u32 $0x190, s8;
	_ =	sdelay $0x1  }
0x47: {  	s9 =	sadd.s32 s16, s9  }
0x48: {  	s9 =	sshrl.u32 s9, $0x3  }
0x49: {  	s10 =	sadd.s32 s14, s9  }
0x4a: {  	[tilespmem:s7], [sflag:$0x1] =	stream.linear.gather [hbm4b:s10+s7], $0x190, $0x38;
	[tilespmem:$0x6C20] =	vst v63  }
0x4b: {  	s9 =	sadd.s32 s15, s9  }
0x4c: {  	[tilespmem:s30], [sflag:$0x2] =	stream.linear.gather [hbm4b:s9+s7], $0x190, $0x38;
	[tilespmem:$0x6C20] =	vst v63  }
0x4d: {  	_ =	swait.ge [sflag:s31], $0x190  }
0x4e: {  	[sflag:s31] =	ssyncset.done $0x0  }
0x4f: {  	[sflag:s31] =	ssyncadd.s32 $0xFFFFFE70  }
0x50: {  	_ =	swait.ge [sflag:s0], $0x190  }
0x51: {  	[sflag:s0] =	ssyncset.done $0x0  }
0x52: {  	s9 =	simm.s32 $0x0;
	[sflag:s0] =	ssyncadd.s32 $0xFFFFFE70  }
.LBB2_5:
0x53: {  	s10 =	smul.u32 $0x50, s9;
	_ =	sdelay $0x1  }
0x54: {  	[tilespmem:s5], [sflag:$0x1] =	stream.indirect.gather [hbm4b:s13+s3], $0x20, s10, s3, $0xb8;
	[tilespmem:$0x6C20] =	vst v63  }
0x55: {  	s12 =	simm.s32 $0xD20;
	s10 =	sadd.s32 $0x190, s10  }
0x56: {  	[tilespmem:s12], [sflag:$0x2] =	stream.indirect.gather [hbm4b:s1+s3], $0x10, s10, s3, $0xb8;
	[tilespmem:$0x6C20] =	vst v63  }
0x57: {  	_ =	swait.ge [sflag:s31], $0xA00  }
0x58: {  	[sflag:s31] =	ssyncset.done $0x0  }
0x59: {  	[sflag:s31] =	ssyncadd.s32 $0xFFFFF600  }
0x5a: {  	_ =	swait.ge [sflag:s0], $0x500  }
0x5b: {  	[sflag:s0] =	ssyncset.done $0x0  }
0x5c: {  	s11 =	simm.s32 $0x0;
	[sflag:s0] =	ssyncadd.s32 $0xFFFFFB00  }
0x5d: {  	s17 =	simm.s32 $0x80;
	v1 =	vld [tilespmem:s11+$0x330]  }
.LBB2_6:
0x5e: {  	p0 =	sne.s32 s17, $0x2780;
	v2 =	vld [tilespmem:s12+$0x0];
	_ =	sdelay $0x4  }
0x5f: {  	v1 =	vadd.f32 v1, v2;
	_ =	sdelay $0x1  }
0x60: {  	v2 =	vmul.f32 $2.000000030e-01, v1  }
0x61: {  	vm0 =	vge.f32 v1, $0.0e+00  }
0x62: {  	v1 =	vsel vm0, v1, v2  }
0x63: {  	v1 =	vmul.f32 $1.442695020e+00, v1;
	_ =	sdelay $0x1  }
0x64: {  	(erf) = vpow2.f32 v1;
	_ =	sdelay $0x6  }
0x65: {  	v1 =	vld [tilespmem:s11+$0x320];
	_ =	sdelay $0x1  }
0x66: {  	v2 =	vpop (erf)  }
.Ltmp1:
0x67: {  	v3 =	vbroadcast v2, $0x0;
	[tilespmem:s11+$0x1230] =	vst v2;
	(pc) =	sbr.rel @p0 .LBB2_6-.Ltmp1, $4  }
0x68: {  	_ = 	snop  }
0x69: {  	v2 =	vmul.f32 v3, v1  }
0x6a: {  	s18 =	sshra.s32 s17, $0x2  }
0x6b: {  	s17 =	sadd.s32 $0x80, s17;
	s12 =	sadd.s32 $0x10, s12;
	v1 =	vld [tilespmem:s18+$0x330];
	[tilespmem:s11+$0x1220] =	vst v2;
	s11 =	smov.u32 s18  }
0x6c: {  	v2 =	vld [tilespmem:s12+$0x0];
	_ =	sdelay $0x4  }
0x6d: {  	v1 =	vadd.f32 v1, v2;
	_ =	sdelay $0x1  }
0x6e: {  	v2 =	vmul.f32 $2.000000030e-01, v1  }
0x6f: {  	vm0 =	vge.f32 v1, $0.0e+00  }
0x70: {  	v1 =	vsel vm0, v1, v2  }
0x71: {  	v1 =	vmul.f32 $1.442695020e+00, v1;
	_ =	sdelay $0x1  }
0x72: {  	(erf) = vpow2.f32 v1;
	_ =	sdelay $0x6  }
0x73: {  	v1 =	vld [tilespmem:s11+$0x320];
	_ =	sdelay $0x1  }
0x74: {  	v2 =	vpop (erf)  }
0x75: {  	v3 =	vbroadcast v2, $0x0;
	_ =	sdelay $0x1  }
0x76: {  	s9 =	sadd.s32 $0x1, s9;
	v1 =	vmul.f32 v3, v1  }
0x77: {  	p0 =	sne.s32 s9, $0x5;
	[tilespmem:s11+$0x1230] =	vst v2  }
.Ltmp2:
0x78: {  	[tilespmem:s11+$0x1220] =	vst v1;
	(pc) =	sbr.rel @p0 .LBB2_5-.Ltmp2, $4  }
0x79: {  	[spmem:s2] =	stream.indirect.scatter.add.f32 [tilespmem:s28], [sflag:$0x3], $0x20, s10, s3, $0xb8;
	[tilespmem:$0x6C20] =	vst v63  }
0x7a: {  	_ =	swait.ge [sflag:s29], $0xA00  }
0x7b: {  	[sflag:s29] =	ssyncset.done $0x0  }
0x7c: {  	[sflag:s29] =	ssyncadd.s32 $0xFFFFF600  }
0x7d: {  	s8 =	sadd.s32 $0x1, s8  }
0x7e: {  	p0 =	sne.s32 s8, $0x19  }
.Ltmp3:
0x7f: {  	_ = 	snop;
	(pc) =	sbr.rel @p0 .LBB2_4-.Ltmp3, $1  }
0x80: {  	_ =	sdelay $0x3  }
0x81: {  	[bflag:$0x0] =	sbarrier.arrive $0xFFFF  }
0x82: {  	s7 =	rddreg [dreg:$0xc]  }
0x83: {  	[tilespmem:s28], [sflag:$0x3] =	stream.linear.gather [spmem:s7], $0xA00, $0x38;
	[tilespmem:$0x6C20] =	vst v63  }
0x84: {  	_ =	swait.ge [sflag:s29], $0xA00  }
0x85: {  	[sflag:s29] =	ssyncset.done $0x0  }
0x86: {  	s17 =	rddreg [dreg:$0x4];
	[sflag:s29] =	ssyncadd.s32 $0xFFFFF600  }
0x87: {  	[hbm4b:s17+s4] =	stream.linear.scatter [tilespmem:s28], [sflag:$0x3], $0xA00, $0x38;
	[tilespmem:$0x6C20] =	vst v63  }
0x88: {  	_ =	swait.ge [sflag:s29], $0xA00  }
0x89: {  	[sflag:s29] =	ssyncset.done $0x0  }
0x8a: {  	[sflag:s29] =	ssyncadd.s32 $0xFFFFF600  }
0x8b: {  	[tilespmem:s28], [sflag:$0x3] =	stream.linear.gather [spmem:s20], $0xA00, $0x38;
	[tilespmem:$0x6C20] =	vst v63  }
0x8c: {  	_ =	swait.ge [sflag:s29], $0xA00  }
0x8d: {  	[sflag:s29] =	ssyncset.done $0x0  }
0x8e: {  	s18 =	rddreg [dreg:$0x5];
	[sflag:s29] =	ssyncadd.s32 $0xFFFFF600  }
0x8f: {  	[hbm4b:s18+s4] =	stream.linear.scatter [tilespmem:s28], [sflag:$0x3], $0xA00, $0x38;
	[tilespmem:$0x6C20] =	vst v63  }
0x90: {  	_ =	swait.ge [sflag:s29], $0xA00  }
0x91: {  	[sflag:s29] =	ssyncset.done $0x0  }
0x92: {  	[sflag:s29] =	ssyncadd.s32 $0xFFFFF600  }
0x93: {  	[tilespmem:s28], [sflag:$0x3] =	stream.linear.gather [spmem:s21], $0xA00, $0x38;
	[tilespmem:$0x6C20] =	vst v63  }
0x94: {  	_ =	swait.ge [sflag:s29], $0xA00  }
0x95: {  	[sflag:s29] =	ssyncset.done $0x0  }
0x96: {  	s8 =	rddreg [dreg:$0x6];
	[sflag:s29] =	ssyncadd.s32 $0xFFFFF600  }
0x97: {  	[hbm4b:s8+s4] =	stream.linear.scatter [tilespmem:s28], [sflag:$0x3], $0xA00, $0x38;
	[tilespmem:$0x6C20] =	vst v63  }
0x98: {  	_ =	swait.ge [sflag:s29], $0xA00  }
0x99: {  	[sflag:s29] =	ssyncset.done $0x0  }
0x9a: {  	[sflag:s29] =	ssyncadd.s32 $0xFFFFF600  }
0x9b: {  	[tilespmem:s28], [sflag:$0x3] =	stream.linear.gather [spmem:s22], $0xA00, $0x38;
	[tilespmem:$0x6C20] =	vst v63  }
0x9c: {  	_ =	swait.ge [sflag:s29], $0xA00  }
0x9d: {  	[sflag:s29] =	ssyncset.done $0x0  }
0x9e: {  	s9 =	rddreg [dreg:$0x7];
	[sflag:s29] =	ssyncadd.s32 $0xFFFFF600  }
0x9f: {  	[hbm4b:s9+s4] =	stream.linear.scatter [tilespmem:s28], [sflag:$0x3], $0xA00, $0x38;
	[tilespmem:$0x6C20] =	vst v63  }
0xa0: {  	_ =	swait.ge [sflag:s29], $0xA00  }
0xa1: {  	[sflag:s29] =	ssyncset.done $0x0  }
0xa2: {  	[sflag:s29] =	ssyncadd.s32 $0xFFFFF600  }
0xa3: {  	[tilespmem:s28], [sflag:$0x3] =	stream.linear.gather [spmem:s23], $0xA00, $0x38;
	[tilespmem:$0x6C20] =	vst v63  }
0xa4: {  	_ =	swait.ge [sflag:s29], $0xA00  }
0xa5: {  	[sflag:s29] =	ssyncset.done $0x0  }
0xa6: {  	s10 =	rddreg [dreg:$0x8];
	[sflag:s29] =	ssyncadd.s32 $0xFFFFF600  }
0xa7: {  	[hbm4b:s10+s4] =	stream.linear.scatter [tilespmem:s28], [sflag:$0x3], $0xA00, $0x38;
	[tilespmem:$0x6C20] =	vst v63  }
0xa8: {  	_ =	swait.ge [sflag:s29], $0xA00  }
0xa9: {  	[sflag:s29] =	ssyncset.done $0x0  }
0xaa: {  	[sflag:s29] =	ssyncadd.s32 $0xFFFFF600  }
0xab: {  	[tilespmem:s28], [sflag:$0x3] =	stream.linear.gather [spmem:s24], $0xA00, $0x38;
	[tilespmem:$0x6C20] =	vst v63  }
0xac: {  	_ =	swait.ge [sflag:s29], $0xA00  }
0xad: {  	[sflag:s29] =	ssyncset.done $0x0  }
0xae: {  	s11 =	rddreg [dreg:$0x9];
	[sflag:s29] =	ssyncadd.s32 $0xFFFFF600  }
0xaf: {  	[hbm4b:s11+s4] =	stream.linear.scatter [tilespmem:s28], [sflag:$0x3], $0xA00, $0x38;
	[tilespmem:$0x6C20] =	vst v63  }
0xb0: {  	_ =	swait.ge [sflag:s29], $0xA00  }
0xb1: {  	[sflag:s29] =	ssyncset.done $0x0  }
0xb2: {  	[sflag:s29] =	ssyncadd.s32 $0xFFFFF600  }
0xb3: {  	[tilespmem:s28], [sflag:$0x3] =	stream.linear.gather [spmem:s25], $0xA00, $0x38;
	[tilespmem:$0x6C20] =	vst v63  }
0xb4: {  	_ =	swait.ge [sflag:s29], $0xA00  }
0xb5: {  	[sflag:s29] =	ssyncset.done $0x0  }
0xb6: {  	s12 =	rddreg [dreg:$0xa];
	[sflag:s29] =	ssyncadd.s32 $0xFFFFF600  }
0xb7: {  	[hbm4b:s12+s4] =	stream.linear.scatter [tilespmem:s28], [sflag:$0x3], $0xA00, $0x38;
	[tilespmem:$0x6C20] =	vst v63  }
0xb8: {  	_ =	swait.ge [sflag:s29], $0xA00  }
0xb9: {  	[sflag:s29] =	ssyncset.done $0x0  }
0xba: {  	[sflag:s29] =	ssyncadd.s32 $0xFFFFF600  }
0xbb: {  	[tilespmem:s28], [sflag:$0x3] =	stream.linear.gather [spmem:s26], $0xA00, $0x38;
	[tilespmem:$0x6C20] =	vst v63  }
0xbc: {  	_ =	swait.ge [sflag:s29], $0xA00  }
0xbd: {  	[sflag:s29] =	ssyncset.done $0x0  }
0xbe: {  	s17 =	rddreg [dreg:$0xb];
	[sflag:s29] =	ssyncadd.s32 $0xFFFFF600  }
0xbf: {  	[hbm4b:s17+s4] =	stream.linear.scatter [tilespmem:s28], [sflag:$0x3], $0xA00, $0x38;
	[tilespmem:$0x6C20] =	vst v63  }
0xc0: {  	_ =	swait.ge [sflag:s29], $0xA00  }
0xc1: {  	s6 =	sadd.s32 $0x1, s6;
	s18 =	rddreg [dreg:$0xd]  }
0xc2: {  	p0 =	sne.s32 s6, s18  }
.Ltmp4:
0xc3: {  	_ = 	snop;
	(pc) =	sbr.rel @p0 .LBB2_1-.Ltmp4, $3  }
0xc4: {  	_ =	sdelay $0x1  }
0xc5: {  	[sflag:s29] =	ssyncset.done $0x0  }
0xc6: {  	[sflag:s29] =	ssyncadd.s32 $0xFFFFF600  }
0xc7: {  	_ =	sfence.sel $0x180000  }
0xc8: {  	[bflag:$0x0] =	sbarrier.arrive $0xFFFF  }
0xc9: {  	_ =	strace $0x9000004A  }
0xca: {  	s0 =	stileid.u32;
	[bflag:$0x2] =	sbarrier.arrive $0xFFFF  }
0xcb: {  	p0 =	sne.s32 s0, $0x0;
	s0 =	rddreg [dreg:$0x3]  }
0xcc: {  	s0 =	sadd.s32 @!p0 $0x100000, s0  }
0xcd: {  	[sflag:s0] =	ssyncadd.tile.s32 @!p0 $0x1;
	_ =	shalt  }
.Lfunc_end2:
_tile_overlayer_lowered:
.L_overlay_start_2:
0xce: {  	(tag) =	ssettag $0x2  }
0xcf: {  	s0 =	rddreg [dreg:$0x0];
	s2 =	stileid.u32  }
0xd0: {  	s1 =	rddreg [dreg:$0x1];
	p0 =	sne.s32 s2, $0x0  }
0xd1: {  	s3 =	rddreg [dreg:$0x2];
	[bflag:$0x3] =	sbarrier.arrive $0xFFFF;
	s2 =	simm.s32 @!p0 $0x1C03  }
0xd2: {  	[timem:s3], [sflag:s2] =	dma.local @!p0 [hbm:s0], s1  }
0xd3: {  	s0 =	simm.s32 @!p0 $0x3  }
0xd4: {  	_ =	swait.ge @!p0 [sflag:s0], s1  }
0xd5: {  	s1 =	ssub.s32 @!p0 $0x0, s1;
	[sflag:s0] =	ssyncset.done @!p0 $0x0  }
0xd6: {  	[sflag:s0] =	ssyncadd.s32 @!p0 s1  }
0xd7: {  	[bflag:$0x3] =	sbarrier.arrive $0xFFFF  }
0xd8: {  	_ =	shalt  }

// kernel: kernel.7.cloned.1.call-start
scs
__scs_entry_jumppad:
0x0: {  	(pc) =	sbr.rel $0x88, $3  }
0x1: {  	(tag) =	ssettag $0x0;
	lr =	simm.s32 $0x1  }
0x2: {  	[smem:$0x3F97] =	sst lr;
	_ =	strace $0xD0000000  }
0x3: {  	_ = 	snop  }
0x4: {  	_ = 	snop  }
0x5: {  	_ = 	snop  }
0x6: {  	_ = 	snop  }
0x7: {  	_ = 	snop  }
__scs_overlays_trampoline_lowered:
0x8: {  	[smem:$0x3FA6] =	sst s0  }
0x9: {  	[smem:$0x3FA7] =	sst s1  }
0xa: {  	[smem:$0x3FA8] =	sst s2  }
0xb: {  	[smem:$0x3FA9] =	sst s3  }
0xc: {  	[smem:$0x3FAA] =	sst s4  }
0xd: {  	[smem:$0x3FAB] =	sst s5  }
0xe: {  	[smem:$0x3FAC] =	sst s6  }
0xf: {  	[smem:$0x3FAD] =	sst s7  }
0x10: {  	[smem:$0x3FAE] =	sst s8  }
0x11: {  	[smem:$0x3FAF] =	sst s9;
	s0 =	simm.s32 @!p0 $0x0  }
0x12: {  	s1 =	sld [smem:$0x3F95];
	s0 =	simm.s32 @p0 $0x1  }
0x13: {  	[smem:$0x3FB0] =	sst s0;
	s0 =	simm.s32 @!p1 $0x0  }
0x14: {  	s2 =	sld [smem:$0x3F94];
	s0 =	simm.s32 @p1 $0x1  }
0x15: {  	[smem:$0x3FB1] =	sst s0;
	s0 =	simm.s32 @!p2 $0x0  }
0x16: {  	s3 =	sld [smem:$0x3FDB];
	s0 =	simm.s32 @p2 $0x1  }
0x17: {  	s4 =	simm.s32 $0x1BF5;
	[smem:$0x3FB3] =	sst s0  }
0x18: {  	s0 =	sld [smem:$0x3F96];
	_ =	swait.ge [sflag:s4], $0x0  }
0x19: {  	s7 =	sld [smem:$0x3F97]  }
0x1a: {  	s8 =	sadd.s32 $0xFFFFE003, lr  }
0x1b: {  	s9 =	sadd.s32 $0xFFFFFEF7, lr;
	s5 =	simm.s32 $0xFFFFFFFF;
	p2 =	slt.u32 s8, $0xFFFFF086  }
0x1c: {  	p1 =	slt.u32 s9, $0xF7A;
	s5 =	simm.s32 @!p2 $0x0  }
0x1d: {  	s5 =	simm.s32 @p1 $0x1;
	p0 =	seq.s32 s7, s2  }
0x1e: {  	s7 =	smul.u32 @!p0 $0xF7A, s2;
	p2 =	seq.s32 @!p0 s5, $0x0  }
0x1f: {  	s9 =	smul.u32 $0xF7A, s1;
	s8 =	simm.s32 @!p0 $0x1BF5;
	p2 =	por !p2, p0  }
0x20: {  	[sflag:s8] =	ssyncset.s32 @!p0 $0xFFFFF086;
	s6 =	sadd.s32 @!p0 s3, s7;
	s7 =	simm.s32 @!p0 $0x108  }
0x21: {  	s3 =	sadd.s32 s3, s9;
	s6 =	sadd.s32 @!p0 $0x88, s6;
	s7 =	simm.s32 @p2 $0x1082  }
0x22: {  	[simem:s7], [sflag:s8] =	dma.local @!p0 [hbm:s6], $0xF7A  }
0x23: {  	s9 =	sor.u32 $0xD0000000, s2;
	s6 =	simm.s32 $0x108;
	_ =	swait.ge @!p0 [sflag:s8], $0x0  }
0x24: {  	s3 =	sadd.s32 $0x88, s3;
	s6 =	simm.s32 @!p1 $0x1082;
	[sflag:s4] =	ssyncset.s32 $0xFFFFF086  }
0x25: {  	[simem:s6], [sflag:s4] =	dma.local [hbm:s3], $0xF7A  }
0x26: {  	[smem:$0x3F97] =	sst s1;
	(tag) =	ssettag s2;
	_ =	strace s9  }
0x27: {  	s1 =	sld [smem:$0x3FA7]  }
0x28: {  	s2 =	sld [smem:$0x3FA8]  }
0x29: {  	s4 =	sld [smem:$0x3FAA]  }
0x2a: {  	p0 =	seq.s32 s5, $0x0;
	s5 =	sld [smem:$0x3FAB]  }
0x2b: {  	s6 =	sld [smem:$0x3FAC]  }
0x2c: {  	s7 =	sld [smem:$0x3FAD]  }
0x2d: {  	s3 =	simm.s32 $0x108;
	s8 =	sld [smem:$0x3FAE]  }
0x2e: {  	s3 =	simm.s32 @!p0 $0x1082;
	s9 =	sld [smem:$0x3FAF]  }
0x2f: {  	lr =	sadd.s32 s0, s3;
	s0 =	sld [smem:$0x3FA6]  }
0x30: {  	s3 =	sld [smem:$0x3FA9]  }
0x31: {  	[smem:$0x3FB2] =	sst s10  }
0x32: {  	s10 =	sld [smem:$0x3FB0];
	_ =	sdelay $0x3  }
0x33: {  	p0 =	seq.s32 s10, $0x1;
	s10 =	sld [smem:$0x3FB2];
	_ =	sdelay $0x3  }
0x34: {  	[smem:$0x3FB2] =	sst s10  }
0x35: {  	s10 =	sld [smem:$0x3FB1];
	_ =	sdelay $0x3  }
0x36: {  	p1 =	seq.s32 s10, $0x1;
	s10 =	sld [smem:$0x3FB2];
	_ =	sdelay $0x3  }
0x37: {  	[smem:$0x3FB2] =	sst s10  }
0x38: {  	s10 =	sld [smem:$0x3FB3]  }
0x39: {  	_ = 	snop;
	(pc) =	sbr.ind lr, $3  }
0x3a: {  	_ = 	snop  }
0x3b: {  	_ = 	snop  }
0x3c: {  	p2 =	seq.s32 s10, $0x1;
	s10 =	sld [smem:$0x3FB2]  }
0x3d: {  	_ =	shalt  }
0x3e: {  	_ =	shalt  }
0x3f: {  	_ =	shalt  }
0x40: {  	_ =	shalt  }
0x41: {  	_ =	shalt  }
0x42: {  	_ =	shalt  }
0x43: {  	_ =	shalt  }
0x44: {  	_ =	shalt  }
0x45: {  	_ =	shalt  }
0x46: {  	_ =	shalt  }
0x47: {  	_ =	shalt  }
0x48: {  	_ =	shalt  }
0x49: {  	_ =	shalt  }
0x4a: {  	_ =	shalt  }
0x4b: {  	_ =	shalt  }
0x4c: {  	_ =	shalt  }
0x4d: {  	_ =	shalt  }
0x4e: {  	_ =	shalt  }
0x4f: {  	_ =	shalt  }
0x50: {  	_ =	shalt  }
0x51: {  	_ =	shalt  }
0x52: {  	_ =	shalt  }
0x53: {  	_ =	shalt  }
0x54: {  	_ =	shalt  }
0x55: {  	_ =	shalt  }
0x56: {  	_ =	shalt  }
0x57: {  	_ =	shalt  }
0x58: {  	_ =	shalt  }
0x59: {  	_ =	shalt  }
0x5a: {  	_ =	shalt  }
0x5b: {  	_ =	shalt  }
0x5c: {  	_ =	shalt  }
0x5d: {  	_ =	shalt  }
0x5e: {  	_ =	shalt  }
0x5f: {  	_ =	shalt  }
0x60: {  	_ =	shalt  }
0x61: {  	_ =	shalt  }
0x62: {  	_ =	shalt  }
0x63: {  	_ =	shalt  }
0x64: {  	_ =	shalt  }
0x65: {  	_ =	shalt  }
0x66: {  	_ =	shalt  }
0x67: {  	_ =	shalt  }
0x68: {  	_ =	shalt  }
0x69: {  	_ =	shalt  }
0x6a: {  	_ =	shalt  }
0x6b: {  	_ =	shalt  }
0x6c: {  	_ =	shalt  }
0x6d: {  	_ =	shalt  }
0x6e: {  	_ =	shalt  }
0x6f: {  	_ =	shalt  }
0x70: {  	_ =	shalt  }
0x71: {  	_ =	shalt  }
0x72: {  	_ =	shalt  }
0x73: {  	_ =	shalt  }
0x74: {  	_ =	shalt  }
0x75: {  	_ =	shalt  }
0x76: {  	_ =	shalt  }
0x77: {  	_ =	shalt  }
0x78: {  	_ =	shalt  }
0x79: {  	_ =	shalt  }
0x7a: {  	_ =	shalt  }
0x7b: {  	_ =	shalt  }
0x7c: {  	_ =	shalt  }
0x7d: {  	_ =	shalt  }
0x7e: {  	_ =	shalt  }
0x7f: {  	_ =	shalt  }
0x80: {  	_ =	shalt  }
0x81: {  	_ =	shalt  }
0x82: {  	_ =	shalt  }
0x83: {  	_ =	shalt  }
0x84: {  	_ =	shalt  }
0x85: {  	_ =	shalt  }
0x86: {  	_ =	shalt  }
0x87: {  	_ =	shalt  }
.Lfunc_end0:
.L_simem_size_0:
called_computation_lowered:
.L_overlay_start_0:
0x88: {  	s2 =	sld [smem:$0x3FD9]  }
0x89: {  	s3 =	sld [smem:$0x3FFE];
	_ =	sdelay $0x1  }
0x8a: {  	s1 =	srdreg.scid  }
0x8b: {  	s0 =	sand.u32 $0x1, s1  }
0x8c: {  	s17 =	sshll.u32 s0, $0xA;
	s2 =	sadd.s32 s3, s2  }
0x8d: {  	s2 =	sadd.s32 s2, s17  }
0x8e: {  	[smem:$0x3FBE] =	sst s2  }
0x8f: {  	_ = 	snop  }
0x90: {  	s2 =	sld [smem:$0x3FD0];
	(tm) =	ssettm $0x1  }
0x91: {  	s18 =	sld [smem:$0x3FFB];
	_ =	sdelay $0x3  }
0x92: {  	_ =	strace s18  }
0x93: {  	s3 =	sld [smem:$0x3FFC];
	_ =	sdelay $0x3  }
0x94: {  	_ =	strace s3  }
0x95: {  	s3 =	sld [smem:$0x3FFD];
	_ =	sdelay $0x3  }
0x96: {  	_ =	strace s3  }
0x97: {  	_ =	strace $0x8FFFFFFF  }
0x98: {  	s19 =	sld [smem:$0x3FDB];
	_ =	sdelay $0x1  }
0x99: {  	s4 =	simm.s32 $_scs_section_size  }
0x9a: {  	s5 =	simm.s32 $_size__tile_overlayer_lowered;
	s6 =	simm.s32 $_tile_overlayer_lowered  }
0x9b: {  	s22 =	simm.s32 $0x1BFF;
	s21 =	sshll.u32 s6, $0x1;
	s3 =	sadd.s32 s4, s19  }
0x9c: {  	s7 =	simm.s32 $0x0;
	s20 =	sshll.u32 s5, $0x1;
	s5 =	sadd.s32 s21, s3  }
0x9d: {  	[timem:s7], [sflag:s22] =	dma.local [hbm:s5], s20  }
0x9e: {  	_ =	swait.ge [sflag:s22], s20  }
0x9f: {  	s4 =	ssub.s32 $0x0, s20;
	[sflag:s22] =	ssyncset.done $0x0  }
0xa0: {  	[sflag:s22] =	ssyncadd.s32 s4;
	_ =	sdelay $0x1  }
0xa1: {  	s23 =	simm.s32 $0x1B8B  }
0xa2: {  	_ =	swait.ge [sflag:s23], $0x1  }
0xa3: {  	[sflag:s23] =	ssyncset.done $0x0  }
0xa4: {  	s25 =	simm.s32 $0x1B8E;
	s24 =	sld [smem:$0x3FFE];
	[sflag:s23] =	ssyncadd.s32 $0xFFFFFFFF  }
0xa5: {  	s26 =	simm.s32 $execute0_lowered;
	[smem:$0x3FD2] =	sst s25  }
0xa6: {  	s5 =	sshll.u32 s26, $0x1;
	_ =	strace $0x80000046;
	[dreg:$0x1] =	wrdreg $0xFFFFFFFF  }
0xa7: {  	s28 =	simm.s32 $_size_execute0_lowered;
	s3 =	sadd.s32 s3, s5;
	[dreg:$0x0] =	wrdreg $0x0  }
0xa8: {  	s5 =	sshll.u32 s28, $0x1;
	[dreg:$0x2] =	wrdreg s3  }
0xa9: {  	[dreg:$0x3] =	wrdreg s5  }
0xaa: {  	[dreg:$0x4] =	wrdreg $0xC0  }
0xab: {  	_ =	task [dreg:s7], $0x5FFFF  }
0xac: {  	[dreg:$0x1] =	wrdreg $0xFFFFFFFF  }
0xad: {  	[dreg:$0x0] =	wrdreg $0x60  }
0xae: {  	[dreg:$0x2] =	wrdreg s24  }
0xaf: {  	[dreg:$0x3] =	wrdreg s2  }
0xb0: {  	[dreg:$0x4] =	wrdreg $0x62200  }
0xb1: {  	[dreg:$0x5] =	wrdreg $0x9  }
0xb2: {  	_ =	task.clear_ibuf [dreg:s7], $0x6FFFF;
	_ =	strace $0x90000046  }
0xb3: {  	s29 =	simm.s32 $0x9;
	_ =	strace $0x80000048  }
0xb4: {  	_ =	swait.ge [sflag:s29], $0x1  }
0xb5: {  	[sflag:s29] =	ssyncadd.s32 $0xFFFFFFFF  }
0xb6: {  	_ =	strace $0x90000048  }
0xb7: {  	_ =	sfence  }
0xb8: {  	s30 =	sld [smem:$0x0];
	_ =	sdelay $0x2  }
0xb9: {  	s31 =	sshll.u32 s1, $0xD;
	s1 =	sshrl.u32 s1, $0x2  }
0xba: {  	s3 =	sand.u32 $0x4000, s31;
	s1 =	sadd.s32 s1, s30  }
0xbb: {  	s0 =	sor.u32 s3, s0;
	s1 =	sshll.u32 s1, $0x11  }
0xbc: {  	s0 =	sor.u32 s1, s0  }
0xbd: {  	s0 =	sadd.s32 $0x8F2B, s0  }
0xbe: {  	[sflag:s0] =	ssyncadd.remote.s32 $0x1  }
0xbf: {  	_ =	sfence.sel $0xFFFF  }
0xc0: {  	[dreg:$0x0] =	wrdreg $0xFFFFFFFF;
	(pc) =	sbr.abs _section_cstart, $3  }
0xc1: {  	[dreg:$0x1] =	wrdreg $0xFFFFFFFF  }
0xc2: {  	_ =	task.clear_ibuf [dreg:s7], $0x2FFFF;
	_ =	strace $0x9FFFFFFF  }
0xc3: {  	(tm) =	ssettm $0x7FFFFFFF  }
tec
execute0_lowered:
.L_overlay_start_1:
0x0: {  	(tag) =	ssettag $0x1  }
0x1: {  	s1 =	rddreg [dreg:$0x0]  }
0x2: {  	s2 =	rddreg [dreg:$0x1];
	s15 =	stileid.u32  }
0x3: {  	s0 =	srdreg.scid;
	s5 =	smul.u32 $0x280, s15  }
0x4: {  	s3 =	rddreg [dreg:$0x2];
	s4 =	sand.u32 $0x1, s0;
	s8 =	smul.u32 $0x16800, s15  }
0x5: {  	s10 =	sadd.s32 $0x41200, s1;
	s0 =	ssub.s32 $0x2, s4;
	s6 =	smul.u32 $0x168000, s4  }
0x6: {  	s4 =	sshll.u32 s4, $0x4;
	s7 =	sshrl.u32 s0, $0x1;
	s9 =	sor.u32 $0x50, s5  }
0x7: {  	s5 =	sadd.s32 $0xA0, s5;
	s7 =	ssub.s32 s0, s7;
	s0 =	smul.u32 $0x90, s9  }
0x8: {  	s14 =	sadd.s32 $0x1600, s1;
	s4 =	sor.u32 s15, s4;
	s17 =	smul.u32 $0x90, s5  }
0x9: {  	s26 =	sadd.s32 s8, s3;
	s11 =	sadd.s32 s6, s8;
	s5 =	smul.u32 $0x240, s5  }
0xa: {  	s25 =	smul.u32 $0x240, s9;
	s11 =	sshrl.u32 s11, $0x3;
	s12 =	sadd.s32 s6, s0  }
0xb: {  	s11 =	sadd.s32 s10, s11;
	s18 =	sadd.s32 s6, s17;
	s5 =	sshrl.u32 s5, $0x2  }
0xc: {  	s28 =	sadd.s32 s0, s3;
	s29 =	sadd.s32 s17, s3;
	s17 =	simm.s32 $0x0  }
0xd: {  	[dreg:$0x4] =	wrdreg s11;
	s16 =	sshrl.u32 s12, $0x3;
	s12 =	sadd.s32 $0x8700, s8  }
0xe: {  	s5 =	sadd.s32 s5, s3;
	s11 =	sadd.s32 s10, s16;
	s13 =	sadd.s32 s6, s12  }
0xf: {  	s16 =	sadd.s32 $0x2D600, s1;
	s30 =	sadd.s32 s12, s3;
	s12 =	simm.s32 $0x320  }
0x10: {  	[dreg:$0x5] =	wrdreg s11;
	s19 =	sshrl.u32 s13, $0x3;
	s13 =	smul.u32 $0x2710, s4  }
0x11: {  	s11 =	sshrl.u32 s18, $0x3;
	s18 =	sadd.s32 $0xB400, s8;
	s4 =	smul.u32 $0x5A000, s15  }
0x12: {  	s15 =	sadd.s32 $0x37400, s1;
	s1 =	sshrl.u32 s25, $0x2;
	s11 =	sadd.s32 s10, s11  }
0x13: {  	s20 =	sadd.s32 s6, s18;
	s1 =	sadd.s32 s1, s3;
	s31 =	sadd.s32 s18, s3  }
0x14: {  	[dreg:$0x6] =	wrdreg s11;
	s11 =	sadd.s32 s10, s19;
	s21 =	sshrl.u32 s20, $0x3  }
0x15: {  	s19 =	sadd.s32 $0xE100, s8;
	s20 =	sadd.s32 $0x10E00, s8;
	s9 =	sshrl.u32 s4, $0x2  }
0x16: {  	s25 =	sadd.s32 $0x43800, s4;
	[dreg:$0x7] =	wrdreg s11;
	s11 =	sadd.s32 s10, s21  }
0x17: {  	s22 =	sadd.s32 s6, s19;
	s23 =	sadd.s32 s6, s20;
	s21 =	sadd.s32 $0x13B00, s8  }
0x18: {  	s8 =	smax.u32 s7, $0x1;
	[dreg:$0x8] =	wrdreg s11;
	s11 =	sshrl.u32 s22, $0x3  }
0x19: {  	s24 =	sshrl.u32 s23, $0x3;
	s6 =	sadd.s32 s6, s21;
	s11 =	sadd.s32 s10, s11  }
0x1a: {  	s6 =	sshrl.u32 s6, $0x3;
	[dreg:$0x9] =	wrdreg s11;
	s11 =	sadd.s32 s10, s24  }
0x1b: {  	s0 =	sadd.s32 s20, s3;
	s6 =	sadd.s32 s10, s6;
	[dreg:$0xa] =	wrdreg s11  }
0x1c: {  	s7 =	simm.s32 $0x190;
	s11 =	simm.s32 $0x0;
	[dreg:$0xb] =	wrdreg s6  }
0x1d: {  	s22 =	sadd.s32 $0x2D000, s4;
	s10 =	sadd.s32 $0x21C00, s4;
	[smem:$0x7FF] =	sst s11  }
0x1e: {  	s24 =	sadd.s32 $0x38400, s4;
	_ =	strace $0x80000047;
	[dreg:$0xc] =	wrdreg s26  }
0x1f: {  	s4 =	sadd.s32 $0x4EC00, s4;
	s6 =	sadd.s32 s9, s3;
	[dreg:$0xd] =	wrdreg s8  }
0x20: {  	s4 =	sshrl.u32 s4, $0x2;
	s9 =	simm.s32 $0x2;
	[dreg:$0xe] =	wrdreg s6  }
0x21: {  	[dreg:$0xf] =	wrdreg s1;
	s1 =	sshrl.u32 s10, $0x2;
	s6 =	sshrl.u32 s22, $0x2  }
0x22: {  	[dreg:$0x10] =	wrdreg s5;
	s5 =	sshrl.u32 s25, $0x2;
	s8 =	simm.s32 $0x1  }
0x23: {  	s10 =	simm.s32 $0x50;
	s1 =	sadd.s32 s1, s3;
	s23 =	sadd.s32 s6, s3  }
0x24: {  	s26 =	sadd.s32 s5, s3;
	s5 =	simm.s32 $0x3520;
	[dreg:$0x11] =	wrdreg s1  }
0x25: {  	s6 =	simm.s32 $0x3;
	[dreg:$0x12] =	wrdreg s23;
	s1 =	sshrl.u32 s24, $0x2  }
0x26: {  	[dreg:$0x14] =	wrdreg s26;
	s26 =	sadd.s32 s4, s3;
	s1 =	sadd.s32 s1, s3  }
0x27: {  	v0 =	vimm.f32 $0.0e+00;
	s4 =	sadd.s32 s21, s3;
	[dreg:$0x13] =	wrdreg s1;
	s1 =	sadd.s32 s19, s3  }
.LBB2_1:
0x28: {  	s18 =	simm.s32 $0x0;
	s19 =	simm.s32 $0x240  }
.LBB2_2:
0x29: {  	p0 =	sne.s32 s19, $0xB1C0;
	[tilespmem:s18+$0x35A0] =	vst v0  }
0x2a: {  	[tilespmem:s18+$0x3520] =	vst v0  }
0x2b: {  	[tilespmem:s18+$0x3530] =	vst v0  }
0x2c: {  	[tilespmem:s18+$0x3540] =	vst v0  }
.Ltmp0:
0x2d: {  	[tilespmem:s18+$0x3550] =	vst v0;
	(pc) =	sbr.rel @p0 .LBB2_2-.Ltmp0, $4  }
0x2e: {  	[tilespmem:s18+$0x3560] =	vst v0  }
0x2f: {  	[tilespmem:s18+$0x3570] =	vst v0  }
0x30: {  	[tilespmem:s18+$0x3580] =	vst v0  }
0x31: {  	[tilespmem:s18+$0x3590] =	vst v0;
	s18 =	sshra.s32 s19, $0x2;
	s19 =	sadd.s32 $0x240, s19  }
0x32: {  	[tilespmem:s18+$0x35A0] =	vst v0  }
0x33: {  	[tilespmem:s18+$0x3520] =	vst v0  }
0x34: {  	[tilespmem:s18+$0x3530] =	vst v0  }
0x35: {  	[tilespmem:s18+$0x3540] =	vst v0  }
0x36: {  	[tilespmem:s18+$0x3550] =	vst v0  }
0x37: {  	[tilespmem:s18+$0x3560] =	vst v0  }
0x38: {  	[tilespmem:s18+$0x3570] =	vst v0  }
0x39: {  	[tilespmem:s18+$0x3580] =	vst v0  }
0x3a: {  	[tilespmem:s18+$0x3590] =	vst v0;
	s19 =	rddreg [dreg:$0xe]  }
0x3b: {  	[spmem:s19] =	stream.linear.scatter [tilespmem:s5], [sflag:$0x3], $0x2D00, $0x38;
	[tilespmem:$0x1CA20] =	vst v63  }
0x3c: {  	_ =	swait.ge [sflag:s6], $0x2D00  }
0x3d: {  	[sflag:s6] =	ssyncset.done $0x0  }
0x3e: {  	s20 =	rddreg [dreg:$0xf];
	[sflag:s6] =	ssyncadd.s32 $0xFFFFD300  }
0x3f: {  	[spmem:s20] =	stream.linear.scatter [tilespmem:s5], [sflag:$0x3], $0x2D00, $0x38;
	[tilespmem:$0x1CA20] =	vst v63  }
0x40: {  	_ =	swait.ge [sflag:s6], $0x2D00  }
0x41: {  	[sflag:s6] =	ssyncset.done $0x0  }
0x42: {  	s21 =	rddreg [dreg:$0x10];
	[sflag:s6] =	ssyncadd.s32 $0xFFFFD300  }
0x43: {  	[spmem:s21] =	stream.linear.scatter [tilespmem:s5], [sflag:$0x3], $0x2D00, $0x38;
	[tilespmem:$0x1CA20] =	vst v63  }
0x44: {  	_ =	swait.ge [sflag:s6], $0x2D00  }
0x45: {  	[sflag:s6] =	ssyncset.done $0x0  }
0x46: {  	s22 =	rddreg [dreg:$0x11];
	[sflag:s6] =	ssyncadd.s32 $0xFFFFD300  }
0x47: {  	[spmem:s22] =	stream.linear.scatter [tilespmem:s5], [sflag:$0x3], $0x2D00, $0x38;
	[tilespmem:$0x1CA20] =	vst v63  }
0x48: {  	_ =	swait.ge [sflag:s6], $0x2D00  }
0x49: {  	[sflag:s6] =	ssyncset.done $0x0  }
0x4a: {  	s23 =	rddreg [dreg:$0x12];
	[sflag:s6] =	ssyncadd.s32 $0xFFFFD300  }
0x4b: {  	[spmem:s23] =	stream.linear.scatter [tilespmem:s5], [sflag:$0x3], $0x2D00, $0x38;
	[tilespmem:$0x1CA20] =	vst v63  }
0x4c: {  	_ =	swait.ge [sflag:s6], $0x2D00  }
0x4d: {  	[sflag:s6] =	ssyncset.done $0x0  }
0x4e: {  	s24 =	rddreg [dreg:$0x13];
	[sflag:s6] =	ssyncadd.s32 $0xFFFFD300  }
0x4f: {  	[spmem:s24] =	stream.linear.scatter [tilespmem:s5], [sflag:$0x3], $0x2D00, $0x38;
	[tilespmem:$0x1CA20] =	vst v63  }
0x50: {  	_ =	swait.ge [sflag:s6], $0x2D00  }
0x51: {  	[sflag:s6] =	ssyncset.done $0x0  }
0x52: {  	s25 =	rddreg [dreg:$0x14];
	[sflag:s6] =	ssyncadd.s32 $0xFFFFD300  }
0x53: {  	[spmem:s25] =	stream.linear.scatter [tilespmem:s5], [sflag:$0x3], $0x2D00, $0x38;
	[tilespmem:$0x1CA20] =	vst v63  }
0x54: {  	_ =	swait.ge [sflag:s6], $0x2D00  }
0x55: {  	[sflag:s6] =	ssyncset.done $0x0  }
0x56: {  	[sflag:s6] =	ssyncadd.s32 $0xFFFFD300  }
0x57: {  	[spmem:s26] =	stream.linear.scatter [tilespmem:s5], [sflag:$0x3], $0x2D00, $0x38;
	[tilespmem:$0x1CA20] =	vst v63  }
0x58: {  	_ =	swait.ge [sflag:s6], $0x2D00  }
0x59: {  	[sflag:s6] =	ssyncset.done $0x0  }
0x5a: {  	[sflag:s6] =	ssyncadd.s32 $0xFFFFD300  }
0x5b: {  	s18 =	simm.s32 $0x0;
	s19 =	simm.s32 $0x0;
	[bflag:$0x0] =	sbarrier.arrive $0xFFFF  }
.LBB2_4:
0x5c: {  	s20 =	smul.u32 $0x190, s19;
	_ =	sdelay $0x1  }
0x5d: {  	s20 =	sadd.s32 s13, s20  }
0x5e: {  	s20 =	sshrl.u32 s20, $0x3  }
0x5f: {  	s21 =	sadd.s32 s15, s20  }
0x60: {  	[tilespmem:s18], [sflag:$0x1] =	stream.linear.gather [hbm4b:s21+s18], $0x190, $0x38;
	[tilespmem:$0x1CA20] =	vst v63  }
0x61: {  	s20 =	sadd.s32 s16, s20  }
0x62: {  	[tilespmem:s7], [sflag:$0x2] =	stream.linear.gather [hbm4b:s20+s18], $0x190, $0x38;
	[tilespmem:$0x1CA20] =	vst v63  }
0x63: {  	_ =	swait.ge [sflag:s8], $0x190  }
0x64: {  	[sflag:s8] =	ssyncset.done $0x0  }
0x65: {  	[sflag:s8] =	ssyncadd.s32 $0xFFFFFE70  }
0x66: {  	_ =	swait.ge [sflag:s9], $0x190  }
0x67: {  	[sflag:s9] =	ssyncset.done $0x0  }
0x68: {  	s20 =	simm.s32 $0x0;
	[sflag:s9] =	ssyncadd.s32 $0xFFFFFE70  }
.LBB2_5:
0x69: {  	s21 =	smul.u32 $0x50, s20;
	_ =	sdelay $0x1  }
0x6a: {  	[tilespmem:s12], [sflag:$0x1] =	stream.indirect.gather [hbm4b:s14+s10], $0x90, s21, s10, $0xb8;
	[tilespmem:$0x1CA20] =	vst v63  }
0x6b: {  	s23 =	simm.s32 $0x3020;
	s21 =	sadd.s32 $0x190, s21  }
0x6c: {  	[tilespmem:s23], [sflag:$0x2] =	stream.indirect.gather [hbm4b:s2+s10], $0x10, s21, s10, $0xb8;
	[tilespmem:$0x1CA20] =	vst v63  }
0x6d: {  	_ =	swait.ge [sflag:s8], $0x2D00  }
0x6e: {  	[sflag:s8] =	ssyncset.done $0x0  }
0x6f: {  	[sflag:s8] =	ssyncadd.s32 $0xFFFFD300  }
0x70: {  	_ =	swait.ge [sflag:s9], $0x500  }
0x71: {  	[sflag:s9] =	ssyncset.done $0x0  }
0x72: {  	s22 =	simm.s32 $0x0;
	[sflag:s9] =	ssyncadd.s32 $0xFFFFFB00  }
0x73: {  	s24 =	simm.s32 $0x240;
	v1 =	vld [tilespmem:s22+$0x3A0]  }
.LBB2_6:
0x74: {  	p0 =	sne.s32 s24, $0xB1C0;
	v2 =	vld [tilespmem:s23+$0x0];
	_ =	sdelay $0x4  }
0x75: {  	v1 =	vadd.f32 v1, v2;
	_ =	sdelay $0x1  }
0x76: {  	v2 =	vmul.f32 $2.000000030e-01, v1  }
0x77: {  	vm0 =	vge.f32 v1, $0.0e+00  }
0x78: {  	v1 =	vsel vm0, v1, v2  }
0x79: {  	v1 =	vmul.f32 $1.442695020e+00, v1;
	_ =	sdelay $0x1  }
0x7a: {  	(erf) = vpow2.f32 v1;
	_ =	sdelay $0x4  }
0x7b: {  	v1 =	vld [tilespmem:s22+$0x320]  }
0x7c: {  	v2 =	vld [tilespmem:s22+$0x330]  }
0x7d: {  	v3 =	vld [tilespmem:s22+$0x340]  }
0x7e: {  	v4 =	vld [tilespmem:s22+$0x350]  }
0x7f: {  	v5 =	vld [tilespmem:s22+$0x360];
	v6 =	vpop (erf)  }
0x80: {  	v7 =	vbroadcast v6, $0x0;
	v8 =	vbroadcast v6, $0x1;
	v9 =	vld [tilespmem:s22+$0x370];
	[tilespmem:s22+$0x35A0] =	vst v6  }
0x81: {  	v10 =	vbroadcast v6, $0x2;
	v11 =	vbroadcast v6, $0x3;
	v12 =	vld [tilespmem:s22+$0x380]  }
0x82: {  	v1 =	vmul.f32 v7, v1;
	v2 =	vmul.f32 v8, v2;
	v7 =	vld [tilespmem:s22+$0x390]  }
0x83: {  	v3 =	vmul.f32 v10, v3;
	v4 =	vmul.f32 v4, v11  }
0x84: {  	v8 =	vbroadcast v6, $0x5;
	[tilespmem:s22+$0x3520] =	vst v1;
	v1 =	vbroadcast v6, $0x4  }
0x85: {  	[tilespmem:s22+$0x3530] =	vst v2;
	v2 =	vbroadcast v6, $0x6;
	v6 =	vbroadcast v6, $0x7  }
0x86: {  	[tilespmem:s22+$0x3540] =	vst v3;
	v1 =	vmul.f32 v5, v1;
	v3 =	vmul.f32 v9, v8  }
.Ltmp1:
0x87: {  	[tilespmem:s22+$0x3550] =	vst v4;
	v2 =	vmul.f32 v12, v2;
	v4 =	vmul.f32 v7, v6;
	(pc) =	sbr.rel @p0 .LBB2_6-.Ltmp1, $4  }
0x88: {  	[tilespmem:s22+$0x3560] =	vst v1  }
0x89: {  	[tilespmem:s22+$0x3570] =	vst v3  }
0x8a: {  	s25 =	sshra.s32 s24, $0x2;
	[tilespmem:s22+$0x3580] =	vst v2  }
0x8b: {  	s24 =	sadd.s32 $0x240, s24;
	s23 =	sadd.s32 $0x10, s23;
	v1 =	vld [tilespmem:s25+$0x3A0];
	[tilespmem:s22+$0x3590] =	vst v4;
	s22 =	smov.u32 s25  }
0x8c: {  	v2 =	vld [tilespmem:s23+$0x0];
	_ =	sdelay $0x4  }
0x8d: {  	v1 =	vadd.f32 v1, v2;
	_ =	sdelay $0x1  }
0x8e: {  	v2 =	vmul.f32 $2.000000030e-01, v1  }
0x8f: {  	vm0 =	vge.f32 v1, $0.0e+00  }
0x90: {  	v1 =	vsel vm0, v1, v2  }
0x91: {  	v1 =	vmul.f32 $1.442695020e+00, v1;
	_ =	sdelay $0x1  }
0x92: {  	(erf) = vpow2.f32 v1;
	_ =	sdelay $0x6  }
0x93: {  	v1 =	vld [tilespmem:s22+$0x320]  }
0x94: {  	v2 =	vld [tilespmem:s22+$0x330]  }
0x95: {  	v3 =	vld [tilespmem:s22+$0x340];
	v6 =	vpop (erf)  }
0x96: {  	v4 =	vld [tilespmem:s22+$0x350];
	v7 =	vbroadcast v6, $0x0  }
0x97: {  	v8 =	vld [tilespmem:s22+$0x370];
	v9 =	vbroadcast v6, $0x1  }
0x98: {  	v5 =	vld [tilespmem:s22+$0x360];
	v10 =	vbroadcast v6, $0x2;
	v1 =	vmul.f32 v7, v1  }
0x99: {  	v11 =	vld [tilespmem:s22+$0x380];
	[tilespmem:s22+$0x35A0] =	vst v6;
	v60 =	vbroadcast v6, $0x3;
	v2 =	vmul.f32 v9, v2  }
0x9a: {  	v61 =	vld [tilespmem:s22+$0x390];
	v62 =	vbroadcast v6, $0x5;
	v3 =	vmul.f32 v10, v3;
	[tilespmem:s22+$0x3520] =	vst v1  }
0x9b: {  	v4 =	vmul.f32 v4, v60;
	v1 =	vbroadcast v6, $0x4;
	[tilespmem:s22+$0x3530] =	vst v2  }
0x9c: {  	v63 =	vmul.f32 v8, v62;
	v2 =	vbroadcast v6, $0x6;
	[tilespmem:s22+$0x3540] =	vst v3  }
0x9d: {  	v3 =	vbroadcast v6, $0x7;
	[tilespmem:s22+$0x3550] =	vst v4;
	v1 =	vmul.f32 v5, v1  }
0x9e: {  	[tilespmem:s22+$0x3570] =	vst v63;
	v2 =	vmul.f32 v11, v2  }
0x9f: {  	s20 =	sadd.s32 $0x1, s20;
	[tilespmem:s22+$0x3560] =	vst v1;
	v1 =	vmul.f32 v61, v3  }
0xa0: {  	p0 =	sne.s32 s20, $0x5;
	[tilespmem:s22+$0x3580] =	vst v2  }
.Ltmp2:
0xa1: {  	[tilespmem:s22+$0x3590] =	vst v1;
	(pc) =	sbr.rel @p0 .LBB2_5-.Ltmp2, $4  }
0xa2: {  	[spmem:s3] =	stream.indirect.scatter.add.f32 [tilespmem:s5], [sflag:$0x3], $0x90, s21, s10, $0xb8;
	[tilespmem:$0x1CA20] =	vst v63  }
0xa3: {  	_ =	swait.ge [sflag:s6], $0x2D00  }
0xa4: {  	[sflag:s6] =	ssyncset.done $0x0  }
0xa5: {  	[sflag:s6] =	ssyncadd.s32 $0xFFFFD300  }
0xa6: {  	s19 =	sadd.s32 $0x1, s19  }
0xa7: {  	p0 =	sne.s32 s19, $0x19  }
.Ltmp3:
0xa8: {  	_ = 	snop;
	(pc) =	sbr.rel @p0 .LBB2_4-.Ltmp3, $1  }
0xa9: {  	_ =	sdelay $0x3  }
0xaa: {  	[bflag:$0x0] =	sbarrier.arrive $0xFFFF  }
0xab: {  	s18 =	rddreg [dreg:$0xc]  }
0xac: {  	[tilespmem:s5], [sflag:$0x3] =	stream.linear.gather [spmem:s18], $0x2D00, $0x38;
	[tilespmem:$0x1CA20] =	vst v63  }
0xad: {  	_ =	swait.ge [sflag:s6], $0x2D00  }
0xae: {  	[sflag:s6] =	ssyncset.done $0x0  }
0xaf: {  	s24 =	rddreg [dreg:$0x4];
	[sflag:s6] =	ssyncadd.s32 $0xFFFFD300  }
0xb0: {  	[hbm4b:s24+s11] =	stream.linear.scatter [tilespmem:s5], [sflag:$0x3], $0x2D00, $0x38;
	[tilespmem:$0x1CA20] =	vst v63  }
0xb1: {  	_ =	swait.ge [sflag:s6], $0x2D00  }
0xb2: {  	[sflag:s6] =	ssyncset.done $0x0  }
0xb3: {  	[sflag:s6] =	ssyncadd.s32 $0xFFFFD300  }
0xb4: {  	[tilespmem:s5], [sflag:$0x3] =	stream.linear.gather [spmem:s28], $0x2D00, $0x38;
	[tilespmem:$0x1CA20] =	vst v63  }
0xb5: {  	_ =	swait.ge [sflag:s6], $0x2D00  }
0xb6: {  	[sflag:s6] =	ssyncset.done $0x0  }
0xb7: {  	s25 =	rddreg [dreg:$0x5];
	[sflag:s6] =	ssyncadd.s32 $0xFFFFD300  }
0xb8: {  	[hbm4b:s25+s11] =	stream.linear.scatter [tilespmem:s5], [sflag:$0x3], $0x2D00, $0x38;
	[tilespmem:$0x1CA20] =	vst v63  }
0xb9: {  	_ =	swait.ge [sflag:s6], $0x2D00  }
0xba: {  	[sflag:s6] =	ssyncset.done $0x0  }
0xbb: {  	[sflag:s6] =	ssyncadd.s32 $0xFFFFD300  }
0xbc: {  	[tilespmem:s5], [sflag:$0x3] =	stream.linear.gather [spmem:s29], $0x2D00, $0x38;
	[tilespmem:$0x1CA20] =	vst v63  }
0xbd: {  	_ =	swait.ge [sflag:s6], $0x2D00  }
0xbe: {  	[sflag:s6] =	ssyncset.done $0x0  }
0xbf: {  	s19 =	rddreg [dreg:$0x6];
	[sflag:s6] =	ssyncadd.s32 $0xFFFFD300  }
0xc0: {  	[hbm4b:s19+s11] =	stream.linear.scatter [tilespmem:s5], [sflag:$0x3], $0x2D00, $0x38;
	[tilespmem:$0x1CA20] =	vst v63  }
0xc1: {  	_ =	swait.ge [sflag:s6], $0x2D00  }
0xc2: {  	[sflag:s6] =	ssyncset.done $0x0  }
0xc3: {  	[sflag:s6] =	ssyncadd.s32 $0xFFFFD300  }
0xc4: {  	[tilespmem:s5], [sflag:$0x3] =	stream.linear.gather [spmem:s30], $0x2D00, $0x38;
	[tilespmem:$0x1CA20] =	vst v63  }
0xc5: {  	_ =	swait.ge [sflag:s6], $0x2D00  }
0xc6: {  	[sflag:s6] =	ssyncset.done $0x0  }
0xc7: {  	s20 =	rddreg [dreg:$0x7];
	[sflag:s6] =	ssyncadd.s32 $0xFFFFD300  }
0xc8: {  	[hbm4b:s20+s11] =	stream.linear.scatter [tilespmem:s5], [sflag:$0x3], $0x2D00, $0x38;
	[tilespmem:$0x1CA20] =	vst v63  }
0xc9: {  	_ =	swait.ge [sflag:s6], $0x2D00  }
0xca: {  	[sflag:s6] =	ssyncset.done $0x0  }
0xcb: {  	[sflag:s6] =	ssyncadd.s32 $0xFFFFD300  }
0xcc: {  	[tilespmem:s5], [sflag:$0x3] =	stream.linear.gather [spmem:s31], $0x2D00, $0x38;
	[tilespmem:$0x1CA20] =	vst v63  }
0xcd: {  	_ =	swait.ge [sflag:s6], $0x2D00  }
0xce: {  	[sflag:s6] =	ssyncset.done $0x0  }
0xcf: {  	s21 =	rddreg [dreg:$0x8];
	[sflag:s6] =	ssyncadd.s32 $0xFFFFD300  }
0xd0: {  	[hbm4b:s21+s11] =	stream.linear.scatter [tilespmem:s5], [sflag:$0x3], $0x2D00, $0x38;
	[tilespmem:$0x1CA20] =	vst v63  }
0xd1: {  	_ =	swait.ge [sflag:s6], $0x2D00  }
0xd2: {  	[sflag:s6] =	ssyncset.done $0x0  }
0xd3: {  	[sflag:s6] =	ssyncadd.s32 $0xFFFFD300  }
0xd4: {  	[tilespmem:s5], [sflag:$0x3] =	stream.linear.gather [spmem:s1], $0x2D00, $0x38;
	[tilespmem:$0x1CA20] =	vst v63  }
0xd5: {  	_ =	swait.ge [sflag:s6], $0x2D00  }
0xd6: {  	[sflag:s6] =	ssyncset.done $0x0  }
0xd7: {  	s22 =	rddreg [dreg:$0x9];
	[sflag:s6] =	ssyncadd.s32 $0xFFFFD300  }
0xd8: {  	[hbm4b:s22+s11] =	stream.linear.scatter [tilespmem:s5], [sflag:$0x3], $0x2D00, $0x38;
	[tilespmem:$0x1CA20] =	vst v63  }
0xd9: {  	_ =	swait.ge [sflag:s6], $0x2D00  }
0xda: {  	[sflag:s6] =	ssyncset.done $0x0  }
0xdb: {  	[sflag:s6] =	ssyncadd.s32 $0xFFFFD300  }
0xdc: {  	[tilespmem:s5], [sflag:$0x3] =	stream.linear.gather [spmem:s0], $0x2D00, $0x38;
	[tilespmem:$0x1CA20] =	vst v63  }
0xdd: {  	_ =	swait.ge [sflag:s6], $0x2D00  }
0xde: {  	[sflag:s6] =	ssyncset.done $0x0  }
0xdf: {  	s23 =	rddreg [dreg:$0xa];
	[sflag:s6] =	ssyncadd.s32 $0xFFFFD300  }
0xe0: {  	[hbm4b:s23+s11] =	stream.linear.scatter [tilespmem:s5], [sflag:$0x3], $0x2D00, $0x38;
	[tilespmem:$0x1CA20] =	vst v63  }
0xe1: {  	_ =	swait.ge [sflag:s6], $0x2D00  }
0xe2: {  	[sflag:s6] =	ssyncset.done $0x0  }
0xe3: {  	[sflag:s6] =	ssyncadd.s32 $0xFFFFD300  }
0xe4: {  	[tilespmem:s5], [sflag:$0x3] =	stream.linear.gather [spmem:s4], $0x2D00, $0x38;
	[tilespmem:$0x1CA20] =	vst v63  }
0xe5: {  	_ =	swait.ge [sflag:s6], $0x2D00  }
0xe6: {  	[sflag:s6] =	ssyncset.done $0x0  }
0xe7: {  	s24 =	rddreg [dreg:$0xb];
	[sflag:s6] =	ssyncadd.s32 $0xFFFFD300  }
0xe8: {  	[hbm4b:s24+s11] =	stream.linear.scatter [tilespmem:s5], [sflag:$0x3], $0x2D00, $0x38;
	[tilespmem:$0x1CA20] =	vst v63  }
0xe9: {  	_ =	swait.ge [sflag:s6], $0x2D00  }
0xea: {  	s17 =	sadd.s32 $0x1, s17;
	s25 =	rddreg [dreg:$0xd]  }
0xeb: {  	p0 =	sne.s32 s17, s25  }
.Ltmp4:
0xec: {  	_ = 	snop;
	(pc) =	sbr.rel @p0 .LBB2_1-.Ltmp4, $3  }
0xed: {  	_ =	sdelay $0x1  }
0xee: {  	[sflag:s6] =	ssyncset.done $0x0  }
0xef: {  	[sflag:s6] =	ssyncadd.s32 $0xFFFFD300  }
0xf0: {  	_ =	sfence.sel $0x180000  }
0xf1: {  	[bflag:$0x0] =	sbarrier.arrive $0xFFFF  }
0xf2: {  	_ =	strace $0x90000047  }
0xf3: {  	s0 =	stileid.u32;
	[bflag:$0x2] =	sbarrier.arrive $0xFFFF  }
0xf4: {  	p0 =	sne.s32 s0, $0x0;
	s0 =	rddreg [dreg:$0x3]  }
0xf5: {  	s0 =	sadd.s32 @!p0 $0x100000, s0  }
0xf6: {  	[sflag:s0] =	ssyncadd.tile.s32 @!p0 $0x1;
	_ =	shalt  }
.Lfunc_end2:
_tile_overlayer_lowered:
.L_overlay_start_2:
0xf7: {  	(tag) =	ssettag $0x2  }
0xf8: {  	s0 =	rddreg [dreg:$0x0];
	s2 =	stileid.u32  }
0xf9: {  	s1 =	rddreg [dreg:$0x1];
	p0 =	sne.s32 s2, $0x0  }
0xfa: {  	s3 =	rddreg [dreg:$0x2];
	[bflag:$0x3] =	sbarrier.arrive $0xFFFF;
	s2 =	simm.s32 @!p0 $0x1C03  }
0xfb: {  	[timem:s3], [sflag:s2] =	dma.local @!p0 [hbm:s0], s1  }
0xfc: {  	s0 =	simm.s32 @!p0 $0x3  }
0xfd: {  	_ =	swait.ge @!p0 [sflag:s0], s1  }
0xfe: {  	s1 =	ssub.s32 @!p0 $0x0, s1;
	[sflag:s0] =	ssyncset.done @!p0 $0x0  }
0xff: {  	[sflag:s0] =	ssyncadd.s32 @!p0 s1  }
0x100: {  	[bflag:$0x3] =	sbarrier.arrive $0xFFFF  }
0x101: {  	_ =	shalt  }

</sc_bundles>
